<compile_context>
chip_gen: v7x
topology: tpu7x:2x2x1
jax: 0.10.2.dev20260603
libtpu: 0.0.44.dev20260713+nightly
codegen_flags: <defaults>
</compile_context>

<pallas_src>
import jax
import jax.numpy as jnp
from jax import lax
from jax.experimental import pallas as pl
from jax.experimental.pallas import tpu as pltpu
from jax.experimental.pallas import tpu_sc as plsc

NUM_CORES = 2
NUM_SUBCORES = 16
NUM_WORKERS = NUM_CORES * NUM_SUBCORES
LANES = 16


def _make_sc_kernel(batch, n_fields, vocab):
    rows_per_w = batch // NUM_WORKERS
    idx_per_w = rows_per_w * n_fields
    blocks_per_w = rows_per_w // LANES
    n_sub = 8
    sub = (vocab // (NUM_SUBCORES * n_sub)) & ~7
    chunk = sub * n_sub
    tail_off = chunk * NUM_SUBCORES
    tail = vocab - tail_off
    assert tail <= sub

    def body(idx_hbm, w_hbm, out_hbm, table_s, stage0, stage1, idx_v, vals_v,
             out_v, sem, sem_in0, sem_in1, sem_out0, sem_out1, sem_g):
        c = lax.axis_index("c")
        s = lax.axis_index("s")
        wid = s * NUM_CORES + c
        r0 = wid * rows_per_w

        off = s * chunk
        stage = (stage0, stage1)
        sem_in = (sem_in0, sem_in1)
        sem_out = (sem_out0, sem_out1)
        in_cp = [None, None]
        out_cp = [None, None]
        for j in range(2):
            in_cp[j] = pltpu.async_copy(
                w_hbm.at[0, pl.ds(off + j * sub, sub)], stage[j], sem_in[j])

        idx_copies = [
            pltpu.async_copy(idx_hbm.at[f, pl.ds(r0, rows_per_w)],
                             idx_v.at[pl.ds(f * rows_per_w, rows_per_w)], sem)
            for f in range(n_fields)
        ]

        for j in range(n_sub + 1):
            b = j & 1
            if 2 <= j < n_sub:
                out_cp[b].wait()
                in_cp[b] = pltpu.async_copy(
                    w_hbm.at[0, pl.ds(off + j * sub, sub)],
                    stage[b], sem_in[b])
            if j >= 1:
                p = (j - 1) & 1
                in_cp[p].wait()
                out_cp[p] = pltpu.async_copy(
                    stage[p],
                    table_s.at[pl.ds(off + (j - 1) * sub, sub)], sem_out[p])
        for cp in out_cp:
            cp.wait()
        if tail:
            @pl.when(s == NUM_SUBCORES - 1)
            def _():
                pltpu.sync_copy(w_hbm.at[0, pl.ds(tail_off, tail)],
                                stage0.at[pl.ds(0, tail)])
                pltpu.sync_copy(stage0.at[pl.ds(0, tail)],
                                table_s.at[pl.ds(tail_off, tail)])
        plsc.subcore_barrier()

        for cp in idx_copies:
            cp.wait()
        f_half = n_fields // 2
        h1 = f_half * rows_per_w
        h2 = idx_per_w - h1
        pltpu.async_copy(table_s.at[idx_v.at[pl.ds(0, h1)]],
                         vals_v.at[pl.ds(0, h1)], sem).wait()
        g2 = pltpu.async_copy(table_s.at[idx_v.at[pl.ds(h1, h2)]],
                              vals_v.at[pl.ds(h1, h2)], sem_g)

        def block1(i, carry):
            base = i * LANES
            acc = vals_v[pl.ds(base, LANES)]
            for f in range(1, f_half):
                acc = acc + vals_v[pl.ds(f * rows_per_w + base, LANES)]
            out_v[pl.ds(base, LANES)] = acc
            return carry

        lax.fori_loop(0, blocks_per_w, block1, 0)
        g2.wait()

        def block2(i, carry):
            base = i * LANES
            acc = out_v[pl.ds(base, LANES)]
            for f in range(f_half, n_fields):
                acc = acc + vals_v[pl.ds(f * rows_per_w + base, LANES)]
            out_v[pl.ds(base, LANES)] = acc
            return carry

        lax.fori_loop(0, blocks_per_w, block2, 0)
        pltpu.sync_copy(out_v, out_hbm.at[0, pl.ds(r0, rows_per_w)])

    mesh = plsc.VectorSubcoreMesh(core_axis_name="c", subcore_axis_name="s")
    return pl.kernel(
        body,
        out_type=jax.ShapeDtypeStruct((1, batch), jnp.float32),
        mesh=mesh,
        scratch_types=[
            pltpu.VMEM_SHARED((vocab,), jnp.float32),
            pltpu.VMEM((sub,), jnp.float32),
            pltpu.VMEM((sub,), jnp.float32),
            pltpu.VMEM((idx_per_w,), jnp.int32),
            pltpu.VMEM((idx_per_w,), jnp.float32),
            pltpu.VMEM((rows_per_w,), jnp.float32),
            pltpu.SemaphoreType.DMA,
            pltpu.SemaphoreType.DMA,
            pltpu.SemaphoreType.DMA,
            pltpu.SemaphoreType.DMA,
            pltpu.SemaphoreType.DMA,
            pltpu.SemaphoreType.DMA,
        ],
        compiler_params=pltpu.CompilerParams(needs_layout_passes=False),
    )


def kernel(inputs, w):
    batch, n_fields = inputs.shape
    vocab = w.shape[0]
    idx = inputs.astype(jnp.int32)
    table = w.astype(jnp.float32)
    out = _make_sc_kernel(batch, n_fields, vocab)(idx.T, table.T)
    return out.T

# --- scband reference (transcript-rebuilt; emitter-appended) ---
"""Pipeline reference for scband-my-linear-13632226197878 (READ-ONLY COPY).

The authoritative reference and input builder live on the scoring server;
editing this copy changes nothing except your own understanding.
"""

import jax, jax.numpy as jnp
import numpy as np

FEATURE_LENGTH = 1000000
BATCH = 16384
N_FIELDS = 26

def setup_inputs(seed: int = 0) -> dict:
    key = jax.random.key(seed)
    k_idx, k_w = jax.random.split(key)
    inputs = jax.random.randint(k_idx, (BATCH, N_FIELDS), 0, FEATURE_LENGTH, dtype=jnp.int64 if jax.config.jax_enable_x64 else jnp.int32)
    w = jax.random.normal(k_w, (FEATURE_LENGTH, 1), dtype=jnp.float32) * 0.01
    return {"inputs": inputs, "w": w}

def reference(inputs, w):
    # tf.nn.embedding_lookup(w, inputs) -> [B, n_fields, 1]; reduce_sum over axis=1 -> [B, 1]
    gathered = jnp.take(w, inputs, axis=0)
    result = jnp.sum(gathered, axis=1)
    return result

if __name__ == "__main__":
    import jax
    _d = setup_inputs()
    print(jax.jit(kernel)(*tuple(_d.values())))

</pallas_src>

<mosaic_0001>
#map = affine_map<(d0, d1) -> (0, 0)>
module attributes {stable_mosaic.version = 14 : i64} {
  func.func @body(%arg0: i32, %arg1: i32, %arg2: memref<26x16384xi32, #tpu.memory_space<hbm>>, %arg3: memref<1x1000000xf32, #tpu.memory_space<hbm>>, %arg4: memref<1x16384xf32, #tpu.memory_space<hbm>>, %arg5: memref<1000000xf32, #tpu.memory_space<vmem_shared>>, %arg6: memref<7808xf32, #tpu.memory_space<vmem>>, %arg7: memref<7808xf32, #tpu.memory_space<vmem>>, %arg8: memref<13312xi32, #tpu.memory_space<vmem>>, %arg9: memref<13312xf32, #tpu.memory_space<vmem>>, %arg10: memref<512xf32, #tpu.memory_space<vmem>>, %arg11: memref<!tpu.dma_semaphore, #tpu.memory_space<semaphore_mem>>, %arg12: memref<!tpu.dma_semaphore, #tpu.memory_space<semaphore_mem>>, %arg13: memref<!tpu.dma_semaphore, #tpu.memory_space<semaphore_mem>>, %arg14: memref<!tpu.dma_semaphore, #tpu.memory_space<semaphore_mem>>, %arg15: memref<!tpu.dma_semaphore, #tpu.memory_space<semaphore_mem>>, %arg16: memref<!tpu.dma_semaphore, #tpu.memory_space<semaphore_mem>>) attributes {dimension_semantics = [#tpu.dimension_semantics<core_parallel>, #tpu.dimension_semantics<subcore_parallel>], iteration_bounds = array<i64: 2, 16>, scalar_prefetch = 0 : i64, scratch_operands = 12 : i64, tpu.core_type = #tpu.core_type<sc_vector_subcore>, window_params = [{transform_indices = #map}, {transform_indices = #map}, {transform_indices = #map}]} {
    %mul3A = arith.constant 2 : i32
    %mul3A_0 = arith.muli %arg1, %mul3A : i32
    %add3A = arith.addi %mul3A_0, %arg0 : i32
    %mul3A_1 = arith.constant 512 : i32
    %mul3A_2 = arith.muli %add3A, %mul3A_1 : i32
    %mul3A_3 = arith.constant 62464 : i32
    %mul3A_4 = arith.muli %arg1, %mul3A_3 : i32
    %add3A_5 = arith.constant 0 : i32
    %add3A_6 = arith.addi %mul3A_4, %add3A_5 : i32
    %dma_start3A = arith.constant 0 : i32
    %dma_start3A_7 = tpu.memref_slice %arg3[%dma_start3A, %add3A_6] : memref<1x1000000xf32, #tpu.memory_space<hbm>> -> memref<1x7808xf32, #tpu.memory_space<hbm>>
    %dma_start3A_8 = tpu.memref_squeeze %dma_start3A_7 : memref<1x7808xf32, #tpu.memory_space<hbm>> -> memref<7808xf32, #tpu.memory_space<hbm>>
    %dma_start3A_9 = tpu.memref_slice %arg3[%dma_start3A, %add3A_6] : memref<1x1000000xf32, #tpu.memory_space<hbm>> -> memref<1x7808xf32, #tpu.memory_space<hbm>>
    %dma_start3A_10 = tpu.memref_squeeze %dma_start3A_9 : memref<1x7808xf32, #tpu.memory_space<hbm>> -> memref<7808xf32, #tpu.memory_space<hbm>>
    tpu.enqueue_dma source(%dma_start3A_10 : memref<7808xf32, #tpu.memory_space<hbm>>) target(%arg6 : memref<7808xf32, #tpu.memory_space<vmem>>) target_semaphore(%arg12 : memref<!tpu.dma_semaphore, #tpu.memory_space<semaphore_mem>>)
    %add3A_11 = arith.constant 7808 : i32
    %add3A_12 = arith.addi %mul3A_4, %add3A_11 : i32
    %dma_start3A_13 = arith.constant 0 : i32
    %dma_start3A_14 = tpu.memref_slice %arg3[%dma_start3A_13, %add3A_12] : memref<1x1000000xf32, #tpu.memory_space<hbm>> -> memref<1x7808xf32, #tpu.memory_space<hbm>>
    %dma_start3A_15 = tpu.memref_squeeze %dma_start3A_14 : memref<1x7808xf32, #tpu.memory_space<hbm>> -> memref<7808xf32, #tpu.memory_space<hbm>>
    %dma_start3A_16 = tpu.memref_slice %arg3[%dma_start3A_13, %add3A_12] : memref<1x1000000xf32, #tpu.memory_space<hbm>> -> memref<1x7808xf32, #tpu.memory_space<hbm>>
    %dma_start3A_17 = tpu.memref_squeeze %dma_start3A_16 : memref<1x7808xf32, #tpu.memory_space<hbm>> -> memref<7808xf32, #tpu.memory_space<hbm>>
    tpu.enqueue_dma source(%dma_start3A_17 : memref<7808xf32, #tpu.memory_space<hbm>>) target(%arg7 : memref<7808xf32, #tpu.memory_space<vmem>>) target_semaphore(%arg13 : memref<!tpu.dma_semaphore, #tpu.memory_space<semaphore_mem>>)
    %dma_start3A_18 = arith.constant 0 : i32
    %dma_start3A_19 = arith.constant 0 : i32
    %dma_start3A_20 = tpu.memref_slice %arg8[%dma_start3A_19] : memref<13312xi32, #tpu.memory_space<vmem>> -> memref<512xi32, #tpu.memory_space<vmem>>
    %dma_start3A_21 = tpu.memref_slice %arg2[%dma_start3A_18, %mul3A_2] : memref<26x16384xi32, #tpu.memory_space<hbm>> -> memref<1x512xi32, #tpu.memory_space<hbm>>
    %dma_start3A_22 = tpu.memref_squeeze %dma_start3A_21 : memref<1x512xi32, #tpu.memory_space<hbm>> -> memref<512xi32, #tpu.memory_space<hbm>>
    %dma_start3A_23 = arith.constant 0 : i32
    %dma_start3A_24 = tpu.memref_slice %arg8[%dma_start3A_23] : memref<13312xi32, #tpu.memory_space<vmem>> -> memref<512xi32, #tpu.memory_space<vmem>>
    %dma_start3A_25 = tpu.memref_slice %arg2[%dma_start3A_18, %mul3A_2] : memref<26x16384xi32, #tpu.memory_space<hbm>> -> memref<1x512xi32, #tpu.memory_space<hbm>>
    %dma_start3A_26 = tpu.memref_squeeze %dma_start3A_25 : memref<1x512xi32, #tpu.memory_space<hbm>> -> memref<512xi32, #tpu.memory_space<hbm>>
    tpu.enqueue_dma source(%dma_start3A_26 : memref<512xi32, #tpu.memory_space<hbm>>) target(%dma_start3A_24 : memref<512xi32, #tpu.memory_space<vmem>>) target_semaphore(%arg11 : memref<!tpu.dma_semaphore, #tpu.memory_space<semaphore_mem>>)
    %dma_start3A_27 = arith.constant 1 : i32
    %dma_start3A_28 = arith.constant 512 : i32
    %dma_start3A_29 = tpu.memref_slice %arg8[%dma_start3A_28] : memref<13312xi32, #tpu.memory_space<vmem>> -> memref<512xi32, #tpu.memory_space<vmem>>
    %dma_start3A_30 = tpu.memref_slice %arg2[%dma_start3A_27, %mul3A_2] : memref<26x16384xi32, #tpu.memory_space<hbm>> -> memref<1x512xi32, #tpu.memory_space<hbm>>
    %dma_start3A_31 = tpu.memref_squeeze %dma_start3A_30 : memref<1x512xi32, #tpu.memory_space<hbm>> -> memref<512xi32, #tpu.memory_space<hbm>>
    %dma_start3A_32 = arith.constant 512 : i32
    %dma_start3A_33 = tpu.memref_slice %arg8[%dma_start3A_32] : memref<13312xi32, #tpu.memory_space<vmem>> -> memref<512xi32, #tpu.memory_space<vmem>>
    %dma_start3A_34 = tpu.memref_slice %arg2[%dma_start3A_27, %mul3A_2] : memref<26x16384xi32, #tpu.memory_space<hbm>> -> memref<1x512xi32, #tpu.memory_space<hbm>>
    %dma_start3A_35 = tpu.memref_squeeze %dma_start3A_34 : memref<1x512xi32, #tpu.memory_space<hbm>> -> memref<512xi32, #tpu.memory_space<hbm>>
    tpu.enqueue_dma source(%dma_start3A_35 : memref<512xi32, #tpu.memory_space<hbm>>) target(%dma_start3A_33 : memref<512xi32, #tpu.memory_space<vmem>>) target_semaphore(%arg11 : memref<!tpu.dma_semaphore, #tpu.memory_space<semaphore_mem>>)
    %dma_start3A_36 = arith.constant 2 : i32
    %dma_start3A_37 = arith.constant 1024 : i32
    %dma_start3A_38 = tpu.memref_slice %arg8[%dma_start3A_37] : memref<13312xi32, #tpu.memory_space<vmem>> -> memref<512xi32, #tpu.memory_space<vmem>>
    %dma_start3A_39 = tpu.memref_slice %arg2[%dma_start3A_36, %mul3A_2] : memref<26x16384xi32, #tpu.memory_space<hbm>> -> memref<1x512xi32, #tpu.memory_space<hbm>>
    %dma_start3A_40 = tpu.memref_squeeze %dma_start3A_39 : memref<1x512xi32, #tpu.memory_space<hbm>> -> memref<512xi32, #tpu.memory_space<hbm>>
    %dma_start3A_41 = arith.constant 1024 : i32
    %dma_start3A_42 = tpu.memref_slice %arg8[%dma_start3A_41] : memref<13312xi32, #tpu.memory_space<vmem>> -> memref<512xi32, #tpu.memory_space<vmem>>
    %dma_start3A_43 = tpu.memref_slice %arg2[%dma_start3A_36, %mul3A_2] : memref<26x16384xi32, #tpu.memory_space<hbm>> -> memref<1x512xi32, #tpu.memory_space<hbm>>
    %dma_start3A_44 = tpu.memref_squeeze %dma_start3A_43 : memref<1x512xi32, #tpu.memory_space<hbm>> -> memref<512xi32, #tpu.memory_space<hbm>>
    tpu.enqueue_dma source(%dma_start3A_44 : memref<512xi32, #tpu.memory_space<hbm>>) target(%dma_start3A_42 : memref<512xi32, #tpu.memory_space<vmem>>) target_semaphore(%arg11 : memref<!tpu.dma_semaphore, #tpu.memory_space<semaphore_mem>>)
    %dma_start3A_45 = arith.constant 3 : i32
    %dma_start3A_46 = arith.constant 1536 : i32
    %dma_start3A_47 = tpu.memref_slice %arg8[%dma_start3A_46] : memref<13312xi32, #tpu.memory_space<vmem>> -> memref<512xi32, #tpu.memory_space<vmem>>
    %dma_start3A_48 = tpu.memref_slice %arg2[%dma_start3A_45, %mul3A_2] : memref<26x16384xi32, #tpu.memory_space<hbm>> -> memref<1x512xi32, #tpu.memory_space<hbm>>
    %dma_start3A_49 = tpu.memref_squeeze %dma_start3A_48 : memref<1x512xi32, #tpu.memory_space<hbm>> -> memref<512xi32, #tpu.memory_space<hbm>>
    %dma_start3A_50 = arith.constant 1536 : i32
    %dma_start3A_51 = tpu.memref_slice %arg8[%dma_start3A_50] : memref<13312xi32, #tpu.memory_space<vmem>> -> memref<512xi32, #tpu.memory_space<vmem>>
    %dma_start3A_52 = tpu.memref_slice %arg2[%dma_start3A_45, %mul3A_2] : memref<26x16384xi32, #tpu.memory_space<hbm>> -> memref<1x512xi32, #tpu.memory_space<hbm>>
    %dma_start3A_53 = tpu.memref_squeeze %dma_start3A_52 : memref<1x512xi32, #tpu.memory_space<hbm>> -> memref<512xi32, #tpu.memory_space<hbm>>
    tpu.enqueue_dma source(%dma_start3A_53 : memref<512xi32, #tpu.memory_space<hbm>>) target(%dma_start3A_51 : memref<512xi32, #tpu.memory_space<vmem>>) target_semaphore(%arg11 : memref<!tpu.dma_semaphore, #tpu.memory_space<semaphore_mem>>)
    %dma_start3A_54 = arith.constant 4 : i32
    %dma_start3A_55 = arith.constant 2048 : i32
    %dma_start3A_56 = tpu.memref_slice %arg8[%dma_start3A_55] : memref<13312xi32, #tpu.memory_space<vmem>> -> memref<512xi32, #tpu.memory_space<vmem>>
    %dma_start3A_57 = tpu.memref_slice %arg2[%dma_start3A_54, %mul3A_2] : memref<26x16384xi32, #tpu.memory_space<hbm>> -> memref<1x512xi32, #tpu.memory_space<hbm>>
    %dma_start3A_58 = tpu.memref_squeeze %dma_start3A_57 : memref<1x512xi32, #tpu.memory_space<hbm>> -> memref<512xi32, #tpu.memory_space<hbm>>
    %dma_start3A_59 = arith.constant 2048 : i32
    %dma_start3A_60 = tpu.memref_slice %arg8[%dma_start3A_59] : memref<13312xi32, #tpu.memory_space<vmem>> -> memref<512xi32, #tpu.memory_space<vmem>>
    %dma_start3A_61 = tpu.memref_slice %arg2[%dma_start3A_54, %mul3A_2] : memref<26x16384xi32, #tpu.memory_space<hbm>> -> memref<1x512xi32, #tpu.memory_space<hbm>>
    %dma_start3A_62 = tpu.memref_squeeze %dma_start3A_61 : memref<1x512xi32, #tpu.memory_space<hbm>> -> memref<512xi32, #tpu.memory_space<hbm>>
    tpu.enqueue_dma source(%dma_start3A_62 : memref<512xi32, #tpu.memory_space<hbm>>) target(%dma_start3A_60 : memref<512xi32, #tpu.memory_space<vmem>>) target_semaphore(%arg11 : memref<!tpu.dma_semaphore, #tpu.memory_space<semaphore_mem>>)
    %dma_start3A_63 = arith.constant 5 : i32
    %dma_start3A_64 = arith.constant 2560 : i32
    %dma_start3A_65 = tpu.memref_slice %arg8[%dma_start3A_64] : memref<13312xi32, #tpu.memory_space<vmem>> -> memref<512xi32, #tpu.memory_space<vmem>>
    %dma_start3A_66 = tpu.memref_slice %arg2[%dma_start3A_63, %mul3A_2] : memref<26x16384xi32, #tpu.memory_space<hbm>> -> memref<1x512xi32, #tpu.memory_space<hbm>>
    %dma_start3A_67 = tpu.memref_squeeze %dma_start3A_66 : memref<1x512xi32, #tpu.memory_space<hbm>> -> memref<512xi32, #tpu.memory_space<hbm>>
    %dma_start3A_68 = arith.constant 2560 : i32
    %dma_start3A_69 = tpu.memref_slice %arg8[%dma_start3A_68] : memref<13312xi32, #tpu.memory_space<vmem>> -> memref<512xi32, #tpu.memory_space<vmem>>
    %dma_start3A_70 = tpu.memref_slice %arg2[%dma_start3A_63, %mul3A_2] : memref<26x16384xi32, #tpu.memory_space<hbm>> -> memref<1x512xi32, #tpu.memory_space<hbm>>
    %dma_start3A_71 = tpu.memref_squeeze %dma_start3A_70 : memref<1x512xi32, #tpu.memory_space<hbm>> -> memref<512xi32, #tpu.memory_space<hbm>>
    tpu.enqueue_dma source(%dma_start3A_71 : memref<512xi32, #tpu.memory_space<hbm>>) target(%dma_start3A_69 : memref<512xi32, #tpu.memory_space<vmem>>) target_semaphore(%arg11 : memref<!tpu.dma_semaphore, #tpu.memory_space<semaphore_mem>>)
    %dma_start3A_72 = arith.constant 6 : i32
    %dma_start3A_73 = arith.constant 3072 : i32
    %dma_start3A_74 = tpu.memref_slice %arg8[%dma_start3A_73] : memref<13312xi32, #tpu.memory_space<vmem>> -> memref<512xi32, #tpu.memory_space<vmem>>
    %dma_start3A_75 = tpu.memref_slice %arg2[%dma_start3A_72, %mul3A_2] : memref<26x16384xi32, #tpu.memory_space<hbm>> -> memref<1x512xi32, #tpu.memory_space<hbm>>
    %dma_start3A_76 = tpu.memref_squeeze %dma_start3A_75 : memref<1x512xi32, #tpu.memory_space<hbm>> -> memref<512xi32, #tpu.memory_space<hbm>>
    %dma_start3A_77 = arith.constant 3072 : i32
    %dma_start3A_78 = tpu.memref_slice %arg8[%dma_start3A_77] : memref<13312xi32, #tpu.memory_space<vmem>> -> memref<512xi32, #tpu.memory_space<vmem>>
    %dma_start3A_79 = tpu.memref_slice %arg2[%dma_start3A_72, %mul3A_2] : memref<26x16384xi32, #tpu.memory_space<hbm>> -> memref<1x512xi32, #tpu.memory_space<hbm>>
    %dma_start3A_80 = tpu.memref_squeeze %dma_start3A_79 : memref<1x512xi32, #tpu.memory_space<hbm>> -> memref<512xi32, #tpu.memory_space<hbm>>
    tpu.enqueue_dma source(%dma_start3A_80 : memref<512xi32, #tpu.memory_space<hbm>>) target(%dma_start3A_78 : memref<512xi32, #tpu.memory_space<vmem>>) target_semaphore(%arg11 : memref<!tpu.dma_semaphore, #tpu.memory_space<semaphore_mem>>)
    %dma_start3A_81 = arith.constant 7 : i32
    %dma_start3A_82 = arith.constant 3584 : i32
    %dma_start3A_83 = tpu.memref_slice %arg8[%dma_start3A_82] : memref<13312xi32, #tpu.memory_space<vmem>> -> memref<512xi32, #tpu.memory_space<vmem>>
    %dma_start3A_84 = tpu.memref_slice %arg2[%dma_start3A_81, %mul3A_2] : memref<26x16384xi32, #tpu.memory_space<hbm>> -> memref<1x512xi32, #tpu.memory_space<hbm>>
    %dma_start3A_85 = tpu.memref_squeeze %dma_start3A_84 : memref<1x512xi32, #tpu.memory_space<hbm>> -> memref<512xi32, #tpu.memory_space<hbm>>
    %dma_start3A_86 = arith.constant 3584 : i32
    %dma_start3A_87 = tpu.memref_slice %arg8[%dma_start3A_86] : memref<13312xi32, #tpu.memory_space<vmem>> -> memref<512xi32, #tpu.memory_space<vmem>>
    %dma_start3A_88 = tpu.memref_slice %arg2[%dma_start3A_81, %mul3A_2] : memref<26x16384xi32, #tpu.memory_space<hbm>> -> memref<1x512xi32, #tpu.memory_space<hbm>>
    %dma_start3A_89 = tpu.memref_squeeze %dma_start3A_88 : memref<1x512xi32, #tpu.memory_space<hbm>> -> memref<512xi32, #tpu.memory_space<hbm>>
    tpu.enqueue_dma source(%dma_start3A_89 : memref<512xi32, #tpu.memory_space<hbm>>) target(%dma_start3A_87 : memref<512xi32, #tpu.memory_space<vmem>>) target_semaphore(%arg11 : memref<!tpu.dma_semaphore, #tpu.memory_space<semaphore_mem>>)
    %dma_start3A_90 = arith.constant 8 : i32
    %dma_start3A_91 = arith.constant 4096 : i32
    %dma_start3A_92 = tpu.memref_slice %arg8[%dma_start3A_91] : memref<13312xi32, #tpu.memory_space<vmem>> -> memref<512xi32, #tpu.memory_space<vmem>>
    %dma_start3A_93 = tpu.memref_slice %arg2[%dma_start3A_90, %mul3A_2] : memref<26x16384xi32, #tpu.memory_space<hbm>> -> memref<1x512xi32, #tpu.memory_space<hbm>>
    %dma_start3A_94 = tpu.memref_squeeze %dma_start3A_93 : memref<1x512xi32, #tpu.memory_space<hbm>> -> memref<512xi32, #tpu.memory_space<hbm>>
    %dma_start3A_95 = arith.constant 4096 : i32
    %dma_start3A_96 = tpu.memref_slice %arg8[%dma_start3A_95] : memref<13312xi32, #tpu.memory_space<vmem>> -> memref<512xi32, #tpu.memory_space<vmem>>
    %dma_start3A_97 = tpu.memref_slice %arg2[%dma_start3A_90, %mul3A_2] : memref<26x16384xi32, #tpu.memory_space<hbm>> -> memref<1x512xi32, #tpu.memory_space<hbm>>
    %dma_start3A_98 = tpu.memref_squeeze %dma_start3A_97 : memref<1x512xi32, #tpu.memory_space<hbm>> -> memref<512xi32, #tpu.memory_space<hbm>>
    tpu.enqueue_dma source(%dma_start3A_98 : memref<512xi32, #tpu.memory_space<hbm>>) target(%dma_start3A_96 : memref<512xi32, #tpu.memory_space<vmem>>) target_semaphore(%arg11 : memref<!tpu.dma_semaphore, #tpu.memory_space<semaphore_mem>>)
    %dma_start3A_99 = arith.constant 9 : i32
    %dma_start3A_100 = arith.constant 4608 : i32
    %dma_start3A_101 = tpu.memref_slice %arg8[%dma_start3A_100] : memref<13312xi32, #tpu.memory_space<vmem>> -> memref<512xi32, #tpu.memory_space<vmem>>
    %dma_start3A_102 = tpu.memref_slice %arg2[%dma_start3A_99, %mul3A_2] : memref<26x16384xi32, #tpu.memory_space<hbm>> -> memref<1x512xi32, #tpu.memory_space<hbm>>
    %dma_start3A_103 = tpu.memref_squeeze %dma_start3A_102 : memref<1x512xi32, #tpu.memory_space<hbm>> -> memref<512xi32, #tpu.memory_space<hbm>>
    %dma_start3A_104 = arith.constant 4608 : i32
    %dma_start3A_105 = tpu.memref_slice %arg8[%dma_start3A_104] : memref<13312xi32, #tpu.memory_space<vmem>> -> memref<512xi32, #tpu.memory_space<vmem>>
    %dma_start3A_106 = tpu.memref_slice %arg2[%dma_start3A_99, %mul3A_2] : memref<26x16384xi32, #tpu.memory_space<hbm>> -> memref<1x512xi32, #tpu.memory_space<hbm>>
    %dma_start3A_107 = tpu.memref_squeeze %dma_start3A_106 : memref<1x512xi32, #tpu.memory_space<hbm>> -> memref<512xi32, #tpu.memory_space<hbm>>
    tpu.enqueue_dma source(%dma_start3A_107 : memref<512xi32, #tpu.memory_space<hbm>>) target(%dma_start3A_105 : memref<512xi32, #tpu.memory_space<vmem>>) target_semaphore(%arg11 : memref<!tpu.dma_semaphore, #tpu.memory_space<semaphore_mem>>)
    %dma_start3A_108 = arith.constant 10 : i32
    %dma_start3A_109 = arith.constant 5120 : i32
    %dma_start3A_110 = tpu.memref_slice %arg8[%dma_start3A_109] : memref<13312xi32, #tpu.memory_space<vmem>> -> memref<512xi32, #tpu.memory_space<vmem>>
    %dma_start3A_111 = tpu.memref_slice %arg2[%dma_start3A_108, %mul3A_2] : memref<26x16384xi32, #tpu.memory_space<hbm>> -> memref<1x512xi32, #tpu.memory_space<hbm>>
    %dma_start3A_112 = tpu.memref_squeeze %dma_start3A_111 : memref<1x512xi32, #tpu.memory_space<hbm>> -> memref<512xi32, #tpu.memory_space<hbm>>
    %dma_start3A_113 = arith.constant 5120 : i32
    %dma_start3A_114 = tpu.memref_slice %arg8[%dma_start3A_113] : memref<13312xi32, #tpu.memory_space<vmem>> -> memref<512xi32, #tpu.memory_space<vmem>>
    %dma_start3A_115 = tpu.memref_slice %arg2[%dma_start3A_108, %mul3A_2] : memref<26x16384xi32, #tpu.memory_space<hbm>> -> memref<1x512xi32, #tpu.memory_space<hbm>>
    %dma_start3A_116 = tpu.memref_squeeze %dma_start3A_115 : memref<1x512xi32, #tpu.memory_space<hbm>> -> memref<512xi32, #tpu.memory_space<hbm>>
    tpu.enqueue_dma source(%dma_start3A_116 : memref<512xi32, #tpu.memory_space<hbm>>) target(%dma_start3A_114 : memref<512xi32, #tpu.memory_space<vmem>>) target_semaphore(%arg11 : memref<!tpu.dma_semaphore, #tpu.memory_space<semaphore_mem>>)
    %dma_start3A_117 = arith.constant 11 : i32
    %dma_start3A_118 = arith.constant 5632 : i32
    %dma_start3A_119 = tpu.memref_slice %arg8[%dma_start3A_118] : memref<13312xi32, #tpu.memory_space<vmem>> -> memref<512xi32, #tpu.memory_space<vmem>>
    %dma_start3A_120 = tpu.memref_slice %arg2[%dma_start3A_117, %mul3A_2] : memref<26x16384xi32, #tpu.memory_space<hbm>> -> memref<1x512xi32, #tpu.memory_space<hbm>>
    %dma_start3A_121 = tpu.memref_squeeze %dma_start3A_120 : memref<1x512xi32, #tpu.memory_space<hbm>> -> memref<512xi32, #tpu.memory_space<hbm>>
    %dma_start3A_122 = arith.constant 5632 : i32
    %dma_start3A_123 = tpu.memref_slice %arg8[%dma_start3A_122] : memref<13312xi32, #tpu.memory_space<vmem>> -> memref<512xi32, #tpu.memory_space<vmem>>
    %dma_start3A_124 = tpu.memref_slice %arg2[%dma_start3A_117, %mul3A_2] : memref<26x16384xi32, #tpu.memory_space<hbm>> -> memref<1x512xi32, #tpu.memory_space<hbm>>
    %dma_start3A_125 = tpu.memref_squeeze %dma_start3A_124 : memref<1x512xi32, #tpu.memory_space<hbm>> -> memref<512xi32, #tpu.memory_space<hbm>>
    tpu.enqueue_dma source(%dma_start3A_125 : memref<512xi32, #tpu.memory_space<hbm>>) target(%dma_start3A_123 : memref<512xi32, #tpu.memory_space<vmem>>) target_semaphore(%arg11 : memref<!tpu.dma_semaphore, #tpu.memory_space<semaphore_mem>>)
    %dma_start3A_126 = arith.constant 12 : i32
    %dma_start3A_127 = arith.constant 6144 : i32
    %dma_start3A_128 = tpu.memref_slice %arg8[%dma_start3A_127] : memref<13312xi32, #tpu.memory_space<vmem>> -> memref<512xi32, #tpu.memory_space<vmem>>
    %dma_start3A_129 = tpu.memref_slice %arg2[%dma_start3A_126, %mul3A_2] : memref<26x16384xi32, #tpu.memory_space<hbm>> -> memref<1x512xi32, #tpu.memory_space<hbm>>
    %dma_start3A_130 = tpu.memref_squeeze %dma_start3A_129 : memref<1x512xi32, #tpu.memory_space<hbm>> -> memref<512xi32, #tpu.memory_space<hbm>>
    %dma_start3A_131 = arith.constant 6144 : i32
    %dma_start3A_132 = tpu.memref_slice %arg8[%dma_start3A_131] : memref<13312xi32, #tpu.memory_space<vmem>> -> memref<512xi32, #tpu.memory_space<vmem>>
    %dma_start3A_133 = tpu.memref_slice %arg2[%dma_start3A_126, %mul3A_2] : memref<26x16384xi32, #tpu.memory_space<hbm>> -> memref<1x512xi32, #tpu.memory_space<hbm>>
    %dma_start3A_134 = tpu.memref_squeeze %dma_start3A_133 : memref<1x512xi32, #tpu.memory_space<hbm>> -> memref<512xi32, #tpu.memory_space<hbm>>
    tpu.enqueue_dma source(%dma_start3A_134 : memref<512xi32, #tpu.memory_space<hbm>>) target(%dma_start3A_132 : memref<512xi32, #tpu.memory_space<vmem>>) target_semaphore(%arg11 : memref<!tpu.dma_semaphore, #tpu.memory_space<semaphore_mem>>)
    %dma_start3A_135 = arith.constant 13 : i32
    %dma_start3A_136 = arith.constant 6656 : i32
    %dma_start3A_137 = tpu.memref_slice %arg8[%dma_start3A_136] : memref<13312xi32, #tpu.memory_space<vmem>> -> memref<512xi32, #tpu.memory_space<vmem>>
    %dma_start3A_138 = tpu.memref_slice %arg2[%dma_start3A_135, %mul3A_2] : memref<26x16384xi32, #tpu.memory_space<hbm>> -> memref<1x512xi32, #tpu.memory_space<hbm>>
    %dma_start3A_139 = tpu.memref_squeeze %dma_start3A_138 : memref<1x512xi32, #tpu.memory_space<hbm>> -> memref<512xi32, #tpu.memory_space<hbm>>
    %dma_start3A_140 = arith.constant 6656 : i32
    %dma_start3A_141 = tpu.memref_slice %arg8[%dma_start3A_140] : memref<13312xi32, #tpu.memory_space<vmem>> -> memref<512xi32, #tpu.memory_space<vmem>>
    %dma_start3A_142 = tpu.memref_slice %arg2[%dma_start3A_135, %mul3A_2] : memref<26x16384xi32, #tpu.memory_space<hbm>> -> memref<1x512xi32, #tpu.memory_space<hbm>>
    %dma_start3A_143 = tpu.memref_squeeze %dma_start3A_142 : memref<1x512xi32, #tpu.memory_space<hbm>> -> memref<512xi32, #tpu.memory_space<hbm>>
    tpu.enqueue_dma source(%dma_start3A_143 : memref<512xi32, #tpu.memory_space<hbm>>) target(%dma_start3A_141 : memref<512xi32, #tpu.memory_space<vmem>>) target_semaphore(%arg11 : memref<!tpu.dma_semaphore, #tpu.memory_space<semaphore_mem>>)
    %dma_start3A_144 = arith.constant 14 : i32
    %dma_start3A_145 = arith.constant 7168 : i32
    %dma_start3A_146 = tpu.memref_slice %arg8[%dma_start3A_145] : memref<13312xi32, #tpu.memory_space<vmem>> -> memref<512xi32, #tpu.memory_space<vmem>>
    %dma_start3A_147 = tpu.memref_slice %arg2[%dma_start3A_144, %mul3A_2] : memref<26x16384xi32, #tpu.memory_space<hbm>> -> memref<1x512xi32, #tpu.memory_space<hbm>>
    %dma_start3A_148 = tpu.memref_squeeze %dma_start3A_147 : memref<1x512xi32, #tpu.memory_space<hbm>> -> memref<512xi32, #tpu.memory_space<hbm>>
    %dma_start3A_149 = arith.constant 7168 : i32
    %dma_start3A_150 = tpu.memref_slice %arg8[%dma_start3A_149] : memref<13312xi32, #tpu.memory_space<vmem>> -> memref<512xi32, #tpu.memory_space<vmem>>
    %dma_start3A_151 = tpu.memref_slice %arg2[%dma_start3A_144, %mul3A_2] : memref<26x16384xi32, #tpu.memory_space<hbm>> -> memref<1x512xi32, #tpu.memory_space<hbm>>
    %dma_start3A_152 = tpu.memref_squeeze %dma_start3A_151 : memref<1x512xi32, #tpu.memory_space<hbm>> -> memref<512xi32, #tpu.memory_space<hbm>>
    tpu.enqueue_dma source(%dma_start3A_152 : memref<512xi32, #tpu.memory_space<hbm>>) target(%dma_start3A_150 : memref<512xi32, #tpu.memory_space<vmem>>) target_semaphore(%arg11 : memref<!tpu.dma_semaphore, #tpu.memory_space<semaphore_mem>>)
    %dma_start3A_153 = arith.constant 15 : i32
    %dma_start3A_154 = arith.constant 7680 : i32
    %dma_start3A_155 = tpu.memref_slice %arg8[%dma_start3A_154] : memref<13312xi32, #tpu.memory_space<vmem>> -> memref<512xi32, #tpu.memory_space<vmem>>
    %dma_start3A_156 = tpu.memref_slice %arg2[%dma_start3A_153, %mul3A_2] : memref<26x16384xi32, #tpu.memory_space<hbm>> -> memref<1x512xi32, #tpu.memory_space<hbm>>
    %dma_start3A_157 = tpu.memref_squeeze %dma_start3A_156 : memref<1x512xi32, #tpu.memory_space<hbm>> -> memref<512xi32, #tpu.memory_space<hbm>>
    %dma_start3A_158 = arith.constant 7680 : i32
    %dma_start3A_159 = tpu.memref_slice %arg8[%dma_start3A_158] : memref<13312xi32, #tpu.memory_space<vmem>> -> memref<512xi32, #tpu.memory_space<vmem>>
    %dma_start3A_160 = tpu.memref_slice %arg2[%dma_start3A_153, %mul3A_2] : memref<26x16384xi32, #tpu.memory_space<hbm>> -> memref<1x512xi32, #tpu.memory_space<hbm>>
    %dma_start3A_161 = tpu.memref_squeeze %dma_start3A_160 : memref<1x512xi32, #tpu.memory_space<hbm>> -> memref<512xi32, #tpu.memory_space<hbm>>
    tpu.enqueue_dma source(%dma_start3A_161 : memref<512xi32, #tpu.memory_space<hbm>>) target(%dma_start3A_159 : memref<512xi32, #tpu.memory_space<vmem>>) target_semaphore(%arg11 : memref<!tpu.dma_semaphore, #tpu.memory_space<semaphore_mem>>)
    %dma_start3A_162 = arith.constant 16 : i32
    %dma_start3A_163 = arith.constant 8192 : i32
    %dma_start3A_164 = tpu.memref_slice %arg8[%dma_start3A_163] : memref<13312xi32, #tpu.memory_space<vmem>> -> memref<512xi32, #tpu.memory_space<vmem>>
    %dma_start3A_165 = tpu.memref_slice %arg2[%dma_start3A_162, %mul3A_2] : memref<26x16384xi32, #tpu.memory_space<hbm>> -> memref<1x512xi32, #tpu.memory_space<hbm>>
    %dma_start3A_166 = tpu.memref_squeeze %dma_start3A_165 : memref<1x512xi32, #tpu.memory_space<hbm>> -> memref<512xi32, #tpu.memory_space<hbm>>
    %dma_start3A_167 = arith.constant 8192 : i32
    %dma_start3A_168 = tpu.memref_slice %arg8[%dma_start3A_167] : memref<13312xi32, #tpu.memory_space<vmem>> -> memref<512xi32, #tpu.memory_space<vmem>>
    %dma_start3A_169 = tpu.memref_slice %arg2[%dma_start3A_162, %mul3A_2] : memref<26x16384xi32, #tpu.memory_space<hbm>> -> memref<1x512xi32, #tpu.memory_space<hbm>>
    %dma_start3A_170 = tpu.memref_squeeze %dma_start3A_169 : memref<1x512xi32, #tpu.memory_space<hbm>> -> memref<512xi32, #tpu.memory_space<hbm>>
    tpu.enqueue_dma source(%dma_start3A_170 : memref<512xi32, #tpu.memory_space<hbm>>) target(%dma_start3A_168 : memref<512xi32, #tpu.memory_space<vmem>>) target_semaphore(%arg11 : memref<!tpu.dma_semaphore, #tpu.memory_space<semaphore_mem>>)
    %dma_start3A_171 = arith.constant 17 : i32
    %dma_start3A_172 = arith.constant 8704 : i32
    %dma_start3A_173 = tpu.memref_slice %arg8[%dma_start3A_172] : memref<13312xi32, #tpu.memory_space<vmem>> -> memref<512xi32, #tpu.memory_space<vmem>>
    %dma_start3A_174 = tpu.memref_slice %arg2[%dma_start3A_171, %mul3A_2] : memref<26x16384xi32, #tpu.memory_space<hbm>> -> memref<1x512xi32, #tpu.memory_space<hbm>>
    %dma_start3A_175 = tpu.memref_squeeze %dma_start3A_174 : memref<1x512xi32, #tpu.memory_space<hbm>> -> memref<512xi32, #tpu.memory_space<hbm>>
    %dma_start3A_176 = arith.constant 8704 : i32
    %dma_start3A_177 = tpu.memref_slice %arg8[%dma_start3A_176] : memref<13312xi32, #tpu.memory_space<vmem>> -> memref<512xi32, #tpu.memory_space<vmem>>
    %dma_start3A_178 = tpu.memref_slice %arg2[%dma_start3A_171, %mul3A_2] : memref<26x16384xi32, #tpu.memory_space<hbm>> -> memref<1x512xi32, #tpu.memory_space<hbm>>
    %dma_start3A_179 = tpu.memref_squeeze %dma_start3A_178 : memref<1x512xi32, #tpu.memory_space<hbm>> -> memref<512xi32, #tpu.memory_space<hbm>>
    tpu.enqueue_dma source(%dma_start3A_179 : memref<512xi32, #tpu.memory_space<hbm>>) target(%dma_start3A_177 : memref<512xi32, #tpu.memory_space<vmem>>) target_semaphore(%arg11 : memref<!tpu.dma_semaphore, #tpu.memory_space<semaphore_mem>>)
    %dma_start3A_180 = arith.constant 18 : i32
    %dma_start3A_181 = arith.constant 9216 : i32
    %dma_start3A_182 = tpu.memref_slice %arg8[%dma_start3A_181] : memref<13312xi32, #tpu.memory_space<vmem>> -> memref<512xi32, #tpu.memory_space<vmem>>
    %dma_start3A_183 = tpu.memref_slice %arg2[%dma_start3A_180, %mul3A_2] : memref<26x16384xi32, #tpu.memory_space<hbm>> -> memref<1x512xi32, #tpu.memory_space<hbm>>
    %dma_start3A_184 = tpu.memref_squeeze %dma_start3A_183 : memref<1x512xi32, #tpu.memory_space<hbm>> -> memref<512xi32, #tpu.memory_space<hbm>>
    %dma_start3A_185 = arith.constant 9216 : i32
    %dma_start3A_186 = tpu.memref_slice %arg8[%dma_start3A_185] : memref<13312xi32, #tpu.memory_space<vmem>> -> memref<512xi32, #tpu.memory_space<vmem>>
    %dma_start3A_187 = tpu.memref_slice %arg2[%dma_start3A_180, %mul3A_2] : memref<26x16384xi32, #tpu.memory_space<hbm>> -> memref<1x512xi32, #tpu.memory_space<hbm>>
    %dma_start3A_188 = tpu.memref_squeeze %dma_start3A_187 : memref<1x512xi32, #tpu.memory_space<hbm>> -> memref<512xi32, #tpu.memory_space<hbm>>
    tpu.enqueue_dma source(%dma_start3A_188 : memref<512xi32, #tpu.memory_space<hbm>>) target(%dma_start3A_186 : memref<512xi32, #tpu.memory_space<vmem>>) target_semaphore(%arg11 : memref<!tpu.dma_semaphore, #tpu.memory_space<semaphore_mem>>)
    %dma_start3A_189 = arith.constant 19 : i32
    %dma_start3A_190 = arith.constant 9728 : i32
    %dma_start3A_191 = tpu.memref_slice %arg8[%dma_start3A_190] : memref<13312xi32, #tpu.memory_space<vmem>> -> memref<512xi32, #tpu.memory_space<vmem>>
    %dma_start3A_192 = tpu.memref_slice %arg2[%dma_start3A_189, %mul3A_2] : memref<26x16384xi32, #tpu.memory_space<hbm>> -> memref<1x512xi32, #tpu.memory_space<hbm>>
    %dma_start3A_193 = tpu.memref_squeeze %dma_start3A_192 : memref<1x512xi32, #tpu.memory_space<hbm>> -> memref<512xi32, #tpu.memory_space<hbm>>
    %dma_start3A_194 = arith.constant 9728 : i32
    %dma_start3A_195 = tpu.memref_slice %arg8[%dma_start3A_194] : memref<13312xi32, #tpu.memory_space<vmem>> -> memref<512xi32, #tpu.memory_space<vmem>>
    %dma_start3A_196 = tpu.memref_slice %arg2[%dma_start3A_189, %mul3A_2] : memref<26x16384xi32, #tpu.memory_space<hbm>> -> memref<1x512xi32, #tpu.memory_space<hbm>>
    %dma_start3A_197 = tpu.memref_squeeze %dma_start3A_196 : memref<1x512xi32, #tpu.memory_space<hbm>> -> memref<512xi32, #tpu.memory_space<hbm>>
    tpu.enqueue_dma source(%dma_start3A_197 : memref<512xi32, #tpu.memory_space<hbm>>) target(%dma_start3A_195 : memref<512xi32, #tpu.memory_space<vmem>>) target_semaphore(%arg11 : memref<!tpu.dma_semaphore, #tpu.memory_space<semaphore_mem>>)
    %dma_start3A_198 = arith.constant 20 : i32
    %dma_start3A_199 = arith.constant 10240 : i32
    %dma_start3A_200 = tpu.memref_slice %arg8[%dma_start3A_199] : memref<13312xi32, #tpu.memory_space<vmem>> -> memref<512xi32, #tpu.memory_space<vmem>>
    %dma_start3A_201 = tpu.memref_slice %arg2[%dma_start3A_198, %mul3A_2] : memref<26x16384xi32, #tpu.memory_space<hbm>> -> memref<1x512xi32, #tpu.memory_space<hbm>>
    %dma_start3A_202 = tpu.memref_squeeze %dma_start3A_201 : memref<1x512xi32, #tpu.memory_space<hbm>> -> memref<512xi32, #tpu.memory_space<hbm>>
    %dma_start3A_203 = arith.constant 10240 : i32
    %dma_start3A_204 = tpu.memref_slice %arg8[%dma_start3A_203] : memref<13312xi32, #tpu.memory_space<vmem>> -> memref<512xi32, #tpu.memory_space<vmem>>
    %dma_start3A_205 = tpu.memref_slice %arg2[%dma_start3A_198, %mul3A_2] : memref<26x16384xi32, #tpu.memory_space<hbm>> -> memref<1x512xi32, #tpu.memory_space<hbm>>
    %dma_start3A_206 = tpu.memref_squeeze %dma_start3A_205 : memref<1x512xi32, #tpu.memory_space<hbm>> -> memref<512xi32, #tpu.memory_space<hbm>>
    tpu.enqueue_dma source(%dma_start3A_206 : memref<512xi32, #tpu.memory_space<hbm>>) target(%dma_start3A_204 : memref<512xi32, #tpu.memory_space<vmem>>) target_semaphore(%arg11 : memref<!tpu.dma_semaphore, #tpu.memory_space<semaphore_mem>>)
    %dma_start3A_207 = arith.constant 21 : i32
    %dma_start3A_208 = arith.constant 10752 : i32
    %dma_start3A_209 = tpu.memref_slice %arg8[%dma_start3A_208] : memref<13312xi32, #tpu.memory_space<vmem>> -> memref<512xi32, #tpu.memory_space<vmem>>
    %dma_start3A_210 = tpu.memref_slice %arg2[%dma_start3A_207, %mul3A_2] : memref<26x16384xi32, #tpu.memory_space<hbm>> -> memref<1x512xi32, #tpu.memory_space<hbm>>
    %dma_start3A_211 = tpu.memref_squeeze %dma_start3A_210 : memref<1x512xi32, #tpu.memory_space<hbm>> -> memref<512xi32, #tpu.memory_space<hbm>>
    %dma_start3A_212 = arith.constant 10752 : i32
    %dma_start3A_213 = tpu.memref_slice %arg8[%dma_start3A_212] : memref<13312xi32, #tpu.memory_space<vmem>> -> memref<512xi32, #tpu.memory_space<vmem>>
    %dma_start3A_214 = tpu.memref_slice %arg2[%dma_start3A_207, %mul3A_2] : memref<26x16384xi32, #tpu.memory_space<hbm>> -> memref<1x512xi32, #tpu.memory_space<hbm>>
    %dma_start3A_215 = tpu.memref_squeeze %dma_start3A_214 : memref<1x512xi32, #tpu.memory_space<hbm>> -> memref<512xi32, #tpu.memory_space<hbm>>
    tpu.enqueue_dma source(%dma_start3A_215 : memref<512xi32, #tpu.memory_space<hbm>>) target(%dma_start3A_213 : memref<512xi32, #tpu.memory_space<vmem>>) target_semaphore(%arg11 : memref<!tpu.dma_semaphore, #tpu.memory_space<semaphore_mem>>)
    %dma_start3A_216 = arith.constant 22 : i32
    %dma_start3A_217 = arith.constant 11264 : i32
    %dma_start3A_218 = tpu.memref_slice %arg8[%dma_start3A_217] : memref<13312xi32, #tpu.memory_space<vmem>> -> memref<512xi32, #tpu.memory_space<vmem>>
    %dma_start3A_219 = tpu.memref_slice %arg2[%dma_start3A_216, %mul3A_2] : memref<26x16384xi32, #tpu.memory_space<hbm>> -> memref<1x512xi32, #tpu.memory_space<hbm>>
    %dma_start3A_220 = tpu.memref_squeeze %dma_start3A_219 : memref<1x512xi32, #tpu.memory_space<hbm>> -> memref<512xi32, #tpu.memory_space<hbm>>
    %dma_start3A_221 = arith.constant 11264 : i32
    %dma_start3A_222 = tpu.memref_slice %arg8[%dma_start3A_221] : memref<13312xi32, #tpu.memory_space<vmem>> -> memref<512xi32, #tpu.memory_space<vmem>>
    %dma_start3A_223 = tpu.memref_slice %arg2[%dma_start3A_216, %mul3A_2] : memref<26x16384xi32, #tpu.memory_space<hbm>> -> memref<1x512xi32, #tpu.memory_space<hbm>>
    %dma_start3A_224 = tpu.memref_squeeze %dma_start3A_223 : memref<1x512xi32, #tpu.memory_space<hbm>> -> memref<512xi32, #tpu.memory_space<hbm>>
    tpu.enqueue_dma source(%dma_start3A_224 : memref<512xi32, #tpu.memory_space<hbm>>) target(%dma_start3A_222 : memref<512xi32, #tpu.memory_space<vmem>>) target_semaphore(%arg11 : memref<!tpu.dma_semaphore, #tpu.memory_space<semaphore_mem>>)
    %dma_start3A_225 = arith.constant 23 : i32
    %dma_start3A_226 = arith.constant 11776 : i32
    %dma_start3A_227 = tpu.memref_slice %arg8[%dma_start3A_226] : memref<13312xi32, #tpu.memory_space<vmem>> -> memref<512xi32, #tpu.memory_space<vmem>>
    %dma_start3A_228 = tpu.memref_slice %arg2[%dma_start3A_225, %mul3A_2] : memref<26x16384xi32, #tpu.memory_space<hbm>> -> memref<1x512xi32, #tpu.memory_space<hbm>>
    %dma_start3A_229 = tpu.memref_squeeze %dma_start3A_228 : memref<1x512xi32, #tpu.memory_space<hbm>> -> memref<512xi32, #tpu.memory_space<hbm>>
    %dma_start3A_230 = arith.constant 11776 : i32
    %dma_start3A_231 = tpu.memref_slice %arg8[%dma_start3A_230] : memref<13312xi32, #tpu.memory_space<vmem>> -> memref<512xi32, #tpu.memory_space<vmem>>
    %dma_start3A_232 = tpu.memref_slice %arg2[%dma_start3A_225, %mul3A_2] : memref<26x16384xi32, #tpu.memory_space<hbm>> -> memref<1x512xi32, #tpu.memory_space<hbm>>
    %dma_start3A_233 = tpu.memref_squeeze %dma_start3A_232 : memref<1x512xi32, #tpu.memory_space<hbm>> -> memref<512xi32, #tpu.memory_space<hbm>>
    tpu.enqueue_dma source(%dma_start3A_233 : memref<512xi32, #tpu.memory_space<hbm>>) target(%dma_start3A_231 : memref<512xi32, #tpu.memory_space<vmem>>) target_semaphore(%arg11 : memref<!tpu.dma_semaphore, #tpu.memory_space<semaphore_mem>>)
    %dma_start3A_234 = arith.constant 24 : i32
    %dma_start3A_235 = arith.constant 12288 : i32
    %dma_start3A_236 = tpu.memref_slice %arg8[%dma_start3A_235] : memref<13312xi32, #tpu.memory_space<vmem>> -> memref<512xi32, #tpu.memory_space<vmem>>
    %dma_start3A_237 = tpu.memref_slice %arg2[%dma_start3A_234, %mul3A_2] : memref<26x16384xi32, #tpu.memory_space<hbm>> -> memref<1x512xi32, #tpu.memory_space<hbm>>
    %dma_start3A_238 = tpu.memref_squeeze %dma_start3A_237 : memref<1x512xi32, #tpu.memory_space<hbm>> -> memref<512xi32, #tpu.memory_space<hbm>>
    %dma_start3A_239 = arith.constant 12288 : i32
    %dma_start3A_240 = tpu.memref_slice %arg8[%dma_start3A_239] : memref<13312xi32, #tpu.memory_space<vmem>> -> memref<512xi32, #tpu.memory_space<vmem>>
    %dma_start3A_241 = tpu.memref_slice %arg2[%dma_start3A_234, %mul3A_2] : memref<26x16384xi32, #tpu.memory_space<hbm>> -> memref<1x512xi32, #tpu.memory_space<hbm>>
    %dma_start3A_242 = tpu.memref_squeeze %dma_start3A_241 : memref<1x512xi32, #tpu.memory_space<hbm>> -> memref<512xi32, #tpu.memory_space<hbm>>
    tpu.enqueue_dma source(%dma_start3A_242 : memref<512xi32, #tpu.memory_space<hbm>>) target(%dma_start3A_240 : memref<512xi32, #tpu.memory_space<vmem>>) target_semaphore(%arg11 : memref<!tpu.dma_semaphore, #tpu.memory_space<semaphore_mem>>)
    %dma_start3A_243 = arith.constant 25 : i32
    %dma_start3A_244 = arith.constant 12800 : i32
    %dma_start3A_245 = tpu.memref_slice %arg8[%dma_start3A_244] : memref<13312xi32, #tpu.memory_space<vmem>> -> memref<512xi32, #tpu.memory_space<vmem>>
    %dma_start3A_246 = tpu.memref_slice %arg2[%dma_start3A_243, %mul3A_2] : memref<26x16384xi32, #tpu.memory_space<hbm>> -> memref<1x512xi32, #tpu.memory_space<hbm>>
    %dma_start3A_247 = tpu.memref_squeeze %dma_start3A_246 : memref<1x512xi32, #tpu.memory_space<hbm>> -> memref<512xi32, #tpu.memory_space<hbm>>
    %dma_start3A_248 = arith.constant 12800 : i32
    %dma_start3A_249 = tpu.memref_slice %arg8[%dma_start3A_248] : memref<13312xi32, #tpu.memory_space<vmem>> -> memref<512xi32, #tpu.memory_space<vmem>>
    %dma_start3A_250 = tpu.memref_slice %arg2[%dma_start3A_243, %mul3A_2] : memref<26x16384xi32, #tpu.memory_space<hbm>> -> memref<1x512xi32, #tpu.memory_space<hbm>>
    %dma_start3A_251 = tpu.memref_squeeze %dma_start3A_250 : memref<1x512xi32, #tpu.memory_space<hbm>> -> memref<512xi32, #tpu.memory_space<hbm>>
    tpu.enqueue_dma source(%dma_start3A_251 : memref<512xi32, #tpu.memory_space<hbm>>) target(%dma_start3A_249 : memref<512xi32, #tpu.memory_space<vmem>>) target_semaphore(%arg11 : memref<!tpu.dma_semaphore, #tpu.memory_space<semaphore_mem>>)
    %dma_wait3A = arith.constant 0 : i32
    %dma_wait3A_252 = tpu.memref_slice %arg3[%dma_wait3A, %add3A_6] : memref<1x1000000xf32, #tpu.memory_space<hbm>> -> memref<1x7808xf32, #tpu.memory_space<hbm>>
    %dma_wait3A_253 = tpu.memref_squeeze %dma_wait3A_252 : memref<1x7808xf32, #tpu.memory_space<hbm>> -> memref<7808xf32, #tpu.memory_space<hbm>>
    %dma_wait3A_254 = tpu.memref_slice %arg3[%dma_wait3A, %add3A_6] : memref<1x1000000xf32, #tpu.memory_space<hbm>> -> memref<1x7808xf32, #tpu.memory_space<hbm>>
    %dma_wait3A_255 = tpu.memref_squeeze %dma_wait3A_254 : memref<1x7808xf32, #tpu.memory_space<hbm>> -> memref<7808xf32, #tpu.memory_space<hbm>>
    tpu.wait_dma2 semaphore(%arg12 : memref<!tpu.dma_semaphore, #tpu.memory_space<semaphore_mem>>) src(%dma_wait3A_255 : memref<7808xf32, #tpu.memory_space<hbm>>) dst(%arg6 : memref<7808xf32, #tpu.memory_space<vmem>>)
    %add3A_256 = arith.constant 0 : i32
    %add3A_257 = arith.addi %mul3A_4, %add3A_256 : i32
    %dma_start3A_258 = tpu.memref_slice %arg5[%add3A_257] : memref<1000000xf32, #tpu.memory_space<vmem_shared>> -> memref<7808xf32, #tpu.memory_space<vmem_shared>>
    %dma_start3A_259 = tpu.memref_slice %arg5[%add3A_257] : memref<1000000xf32, #tpu.memory_space<vmem_shared>> -> memref<7808xf32, #tpu.memory_space<vmem_shared>>
    tpu.enqueue_dma source(%arg6 : memref<7808xf32, #tpu.memory_space<vmem>>) target(%dma_start3A_259 : memref<7808xf32, #tpu.memory_space<vmem_shared>>) target_semaphore(%arg14 : memref<!tpu.dma_semaphore, #tpu.memory_space<semaphore_mem>>)
    %dma_wait3A_260 = tpu.memref_slice %arg5[%add3A_257] : memref<1000000xf32, #tpu.memory_space<vmem_shared>> -> memref<7808xf32, #tpu.memory_space<vmem_shared>>
    %dma_wait3A_261 = tpu.memref_slice %arg5[%add3A_257] : memref<1000000xf32, #tpu.memory_space<vmem_shared>> -> memref<7808xf32, #tpu.memory_space<vmem_shared>>
    tpu.wait_dma2 semaphore(%arg14 : memref<!tpu.dma_semaphore, #tpu.memory_space<semaphore_mem>>) src(%arg6 : memref<7808xf32, #tpu.memory_space<vmem>>) dst(%dma_wait3A_261 : memref<7808xf32, #tpu.memory_space<vmem_shared>>)
    %add3A_262 = arith.constant 15616 : i32
    %add3A_263 = arith.addi %mul3A_4, %add3A_262 : i32
    %dma_start3A_264 = arith.constant 0 : i32
    %dma_start3A_265 = tpu.memref_slice %arg3[%dma_start3A_264, %add3A_263] : memref<1x1000000xf32, #tpu.memory_space<hbm>> -> memref<1x7808xf32, #tpu.memory_space<hbm>>
    %dma_start3A_266 = tpu.memref_squeeze %dma_start3A_265 : memref<1x7808xf32, #tpu.memory_space<hbm>> -> memref<7808xf32, #tpu.memory_space<hbm>>
    %dma_start3A_267 = tpu.memref_slice %arg3[%dma_start3A_264, %add3A_263] : memref<1x1000000xf32, #tpu.memory_space<hbm>> -> memref<1x7808xf32, #tpu.memory_space<hbm>>
    %dma_start3A_268 = tpu.memref_squeeze %dma_start3A_267 : memref<1x7808xf32, #tpu.memory_space<hbm>> -> memref<7808xf32, #tpu.memory_space<hbm>>
    tpu.enqueue_dma source(%dma_start3A_268 : memref<7808xf32, #tpu.memory_space<hbm>>) target(%arg6 : memref<7808xf32, #tpu.memory_space<vmem>>) target_semaphore(%arg12 : memref<!tpu.dma_semaphore, #tpu.memory_space<semaphore_mem>>)
    %dma_wait3A_269 = arith.constant 0 : i32
    %dma_wait3A_270 = tpu.memref_slice %arg3[%dma_wait3A_269, %add3A_12] : memref<1x1000000xf32, #tpu.memory_space<hbm>> -> memref<1x7808xf32, #tpu.memory_space<hbm>>
    %dma_wait3A_271 = tpu.memref_squeeze %dma_wait3A_270 : memref<1x7808xf32, #tpu.memory_space<hbm>> -> memref<7808xf32, #tpu.memory_space<hbm>>
    %dma_wait3A_272 = tpu.memref_slice %arg3[%dma_wait3A_269, %add3A_12] : memref<1x1000000xf32, #tpu.memory_space<hbm>> -> memref<1x7808xf32, #tpu.memory_space<hbm>>
    %dma_wait3A_273 = tpu.memref_squeeze %dma_wait3A_272 : memref<1x7808xf32, #tpu.memory_space<hbm>> -> memref<7808xf32, #tpu.memory_space<hbm>>
    tpu.wait_dma2 semaphore(%arg13 : memref<!tpu.dma_semaphore, #tpu.memory_space<semaphore_mem>>) src(%dma_wait3A_273 : memref<7808xf32, #tpu.memory_space<hbm>>) dst(%arg7 : memref<7808xf32, #tpu.memory_space<vmem>>)
    %add3A_274 = arith.constant 7808 : i32
    %add3A_275 = arith.addi %mul3A_4, %add3A_274 : i32
    %dma_start3A_276 = tpu.memref_slice %arg5[%add3A_275] : memref<1000000xf32, #tpu.memory_space<vmem_shared>> -> memref<7808xf32, #tpu.memory_space<vmem_shared>>
    %dma_start3A_277 = tpu.memref_slice %arg5[%add3A_275] : memref<1000000xf32, #tpu.memory_space<vmem_shared>> -> memref<7808xf32, #tpu.memory_space<vmem_shared>>
    tpu.enqueue_dma source(%arg7 : memref<7808xf32, #tpu.memory_space<vmem>>) target(%dma_start3A_277 : memref<7808xf32, #tpu.memory_space<vmem_shared>>) target_semaphore(%arg15 : memref<!tpu.dma_semaphore, #tpu.memory_space<semaphore_mem>>)
    %dma_wait3A_278 = tpu.memref_slice %arg5[%add3A_275] : memref<1000000xf32, #tpu.memory_space<vmem_shared>> -> memref<7808xf32, #tpu.memory_space<vmem_shared>>
    %dma_wait3A_279 = tpu.memref_slice %arg5[%add3A_275] : memref<1000000xf32, #tpu.memory_space<vmem_shared>> -> memref<7808xf32, #tpu.memory_space<vmem_shared>>
    tpu.wait_dma2 semaphore(%arg15 : memref<!tpu.dma_semaphore, #tpu.memory_space<semaphore_mem>>) src(%arg7 : memref<7808xf32, #tpu.memory_space<vmem>>) dst(%dma_wait3A_279 : memref<7808xf32, #tpu.memory_space<vmem_shared>>)
    %add3A_280 = arith.constant 23424 : i32
    %add3A_281 = arith.addi %mul3A_4, %add3A_280 : i32
    %dma_start3A_282 = arith.constant 0 : i32
    %dma_start3A_283 = tpu.memref_slice %arg3[%dma_start3A_282, %add3A_281] : memref<1x1000000xf32, #tpu.memory_space<hbm>> -> memref<1x7808xf32, #tpu.memory_space<hbm>>
    %dma_start3A_284 = tpu.memref_squeeze %dma_start3A_283 : memref<1x7808xf32, #tpu.memory_space<hbm>> -> memref<7808xf32, #tpu.memory_space<hbm>>
    %dma_start3A_285 = tpu.memref_slice %arg3[%dma_start3A_282, %add3A_281] : memref<1x1000000xf32, #tpu.memory_space<hbm>> -> memref<1x7808xf32, #tpu.memory_space<hbm>>
    %dma_start3A_286 = tpu.memref_squeeze %dma_start3A_285 : memref<1x7808xf32, #tpu.memory_space<hbm>> -> memref<7808xf32, #tpu.memory_space<hbm>>
    tpu.enqueue_dma source(%dma_start3A_286 : memref<7808xf32, #tpu.memory_space<hbm>>) target(%arg7 : memref<7808xf32, #tpu.memory_space<vmem>>) target_semaphore(%arg13 : memref<!tpu.dma_semaphore, #tpu.memory_space<semaphore_mem>>)
    %dma_wait3A_287 = arith.constant 0 : i32
    %dma_wait3A_288 = tpu.memref_slice %arg3[%dma_wait3A_287, %add3A_263] : memref<1x1000000xf32, #tpu.memory_space<hbm>> -> memref<1x7808xf32, #tpu.memory_space<hbm>>
    %dma_wait3A_289 = tpu.memref_squeeze %dma_wait3A_288 : memref<1x7808xf32, #tpu.memory_space<hbm>> -> memref<7808xf32, #tpu.memory_space<hbm>>
    %dma_wait3A_290 = tpu.memref_slice %arg3[%dma_wait3A_287, %add3A_263] : memref<1x1000000xf32, #tpu.memory_space<hbm>> -> memref<1x7808xf32, #tpu.memory_space<hbm>>
    %dma_wait3A_291 = tpu.memref_squeeze %dma_wait3A_290 : memref<1x7808xf32, #tpu.memory_space<hbm>> -> memref<7808xf32, #tpu.memory_space<hbm>>
    tpu.wait_dma2 semaphore(%arg12 : memref<!tpu.dma_semaphore, #tpu.memory_space<semaphore_mem>>) src(%dma_wait3A_291 : memref<7808xf32, #tpu.memory_space<hbm>>) dst(%arg6 : memref<7808xf32, #tpu.memory_space<vmem>>)
    %add3A_292 = arith.constant 15616 : i32
    %add3A_293 = arith.addi %mul3A_4, %add3A_292 : i32
    %dma_start3A_294 = tpu.memref_slice %arg5[%add3A_293] : memref<1000000xf32, #tpu.memory_space<vmem_shared>> -> memref<7808xf32, #tpu.memory_space<vmem_shared>>
    %dma_start3A_295 = tpu.memref_slice %arg5[%add3A_293] : memref<1000000xf32, #tpu.memory_space<vmem_shared>> -> memref<7808xf32, #tpu.memory_space<vmem_shared>>
    tpu.enqueue_dma source(%arg6 : memref<7808xf32, #tpu.memory_space<vmem>>) target(%dma_start3A_295 : memref<7808xf32, #tpu.memory_space<vmem_shared>>) target_semaphore(%arg14 : memref<!tpu.dma_semaphore, #tpu.memory_space<semaphore_mem>>)
    %dma_wait3A_296 = tpu.memref_slice %arg5[%add3A_293] : memref<1000000xf32, #tpu.memory_space<vmem_shared>> -> memref<7808xf32, #tpu.memory_space<vmem_shared>>
    %dma_wait3A_297 = tpu.memref_slice %arg5[%add3A_293] : memref<1000000xf32, #tpu.memory_space<vmem_shared>> -> memref<7808xf32, #tpu.memory_space<vmem_shared>>
    tpu.wait_dma2 semaphore(%arg14 : memref<!tpu.dma_semaphore, #tpu.memory_space<semaphore_mem>>) src(%arg6 : memref<7808xf32, #tpu.memory_space<vmem>>) dst(%dma_wait3A_297 : memref<7808xf32, #tpu.memory_space<vmem_shared>>)
    %add3A_298 = arith.constant 31232 : i32
    %add3A_299 = arith.addi %mul3A_4, %add3A_298 : i32
    %dma_start3A_300 = arith.constant 0 : i32
    %dma_start3A_301 = tpu.memref_slice %arg3[%dma_start3A_300, %add3A_299] : memref<1x1000000xf32, #tpu.memory_space<hbm>> -> memref<1x7808xf32, #tpu.memory_space<hbm>>
    %dma_start3A_302 = tpu.memref_squeeze %dma_start3A_301 : memref<1x7808xf32, #tpu.memory_space<hbm>> -> memref<7808xf32, #tpu.memory_space<hbm>>
    %dma_start3A_303 = tpu.memref_slice %arg3[%dma_start3A_300, %add3A_299] : memref<1x1000000xf32, #tpu.memory_space<hbm>> -> memref<1x7808xf32, #tpu.memory_space<hbm>>
    %dma_start3A_304 = tpu.memref_squeeze %dma_start3A_303 : memref<1x7808xf32, #tpu.memory_space<hbm>> -> memref<7808xf32, #tpu.memory_space<hbm>>
    tpu.enqueue_dma source(%dma_start3A_304 : memref<7808xf32, #tpu.memory_space<hbm>>) target(%arg6 : memref<7808xf32, #tpu.memory_space<vmem>>) target_semaphore(%arg12 : memref<!tpu.dma_semaphore, #tpu.memory_space<semaphore_mem>>)
    %dma_wait3A_305 = arith.constant 0 : i32
    %dma_wait3A_306 = tpu.memref_slice %arg3[%dma_wait3A_305, %add3A_281] : memref<1x1000000xf32, #tpu.memory_space<hbm>> -> memref<1x7808xf32, #tpu.memory_space<hbm>>
    %dma_wait3A_307 = tpu.memref_squeeze %dma_wait3A_306 : memref<1x7808xf32, #tpu.memory_space<hbm>> -> memref<7808xf32, #tpu.memory_space<hbm>>
    %dma_wait3A_308 = tpu.memref_slice %arg3[%dma_wait3A_305, %add3A_281] : memref<1x1000000xf32, #tpu.memory_space<hbm>> -> memref<1x7808xf32, #tpu.memory_space<hbm>>
    %dma_wait3A_309 = tpu.memref_squeeze %dma_wait3A_308 : memref<1x7808xf32, #tpu.memory_space<hbm>> -> memref<7808xf32, #tpu.memory_space<hbm>>
    tpu.wait_dma2 semaphore(%arg13 : memref<!tpu.dma_semaphore, #tpu.memory_space<semaphore_mem>>) src(%dma_wait3A_309 : memref<7808xf32, #tpu.memory_space<hbm>>) dst(%arg7 : memref<7808xf32, #tpu.memory_space<vmem>>)
    %add3A_310 = arith.constant 23424 : i32
    %add3A_311 = arith.addi %mul3A_4, %add3A_310 : i32
    %dma_start3A_312 = tpu.memref_slice %arg5[%add3A_311] : memref<1000000xf32, #tpu.memory_space<vmem_shared>> -> memref<7808xf32, #tpu.memory_space<vmem_shared>>
    %dma_start3A_313 = tpu.memref_slice %arg5[%add3A_311] : memref<1000000xf32, #tpu.memory_space<vmem_shared>> -> memref<7808xf32, #tpu.memory_space<vmem_shared>>
    tpu.enqueue_dma source(%arg7 : memref<7808xf32, #tpu.memory_space<vmem>>) target(%dma_start3A_313 : memref<7808xf32, #tpu.memory_space<vmem_shared>>) target_semaphore(%arg15 : memref<!tpu.dma_semaphore, #tpu.memory_space<semaphore_mem>>)
    %dma_wait3A_314 = tpu.memref_slice %arg5[%add3A_311] : memref<1000000xf32, #tpu.memory_space<vmem_shared>> -> memref<7808xf32, #tpu.memory_space<vmem_shared>>
    %dma_wait3A_315 = tpu.memref_slice %arg5[%add3A_311] : memref<1000000xf32, #tpu.memory_space<vmem_shared>> -> memref<7808xf32, #tpu.memory_space<vmem_shared>>
    tpu.wait_dma2 semaphore(%arg15 : memref<!tpu.dma_semaphore, #tpu.memory_space<semaphore_mem>>) src(%arg7 : memref<7808xf32, #tpu.memory_space<vmem>>) dst(%dma_wait3A_315 : memref<7808xf32, #tpu.memory_space<vmem_shared>>)
    %add3A_316 = arith.constant 39040 : i32
    %add3A_317 = arith.addi %mul3A_4, %add3A_316 : i32
    %dma_start3A_318 = arith.constant 0 : i32
    %dma_start3A_319 = tpu.memref_slice %arg3[%dma_start3A_318, %add3A_317] : memref<1x1000000xf32, #tpu.memory_space<hbm>> -> memref<1x7808xf32, #tpu.memory_space<hbm>>
    %dma_start3A_320 = tpu.memref_squeeze %dma_start3A_319 : memref<1x7808xf32, #tpu.memory_space<hbm>> -> memref<7808xf32, #tpu.memory_space<hbm>>
    %dma_start3A_321 = tpu.memref_slice %arg3[%dma_start3A_318, %add3A_317] : memref<1x1000000xf32, #tpu.memory_space<hbm>> -> memref<1x7808xf32, #tpu.memory_space<hbm>>
    %dma_start3A_322 = tpu.memref_squeeze %dma_start3A_321 : memref<1x7808xf32, #tpu.memory_space<hbm>> -> memref<7808xf32, #tpu.memory_space<hbm>>
    tpu.enqueue_dma source(%dma_start3A_322 : memref<7808xf32, #tpu.memory_space<hbm>>) target(%arg7 : memref<7808xf32, #tpu.memory_space<vmem>>) target_semaphore(%arg13 : memref<!tpu.dma_semaphore, #tpu.memory_space<semaphore_mem>>)
    %dma_wait3A_323 = arith.constant 0 : i32
    %dma_wait3A_324 = tpu.memref_slice %arg3[%dma_wait3A_323, %add3A_299] : memref<1x1000000xf32, #tpu.memory_space<hbm>> -> memref<1x7808xf32, #tpu.memory_space<hbm>>
    %dma_wait3A_325 = tpu.memref_squeeze %dma_wait3A_324 : memref<1x7808xf32, #tpu.memory_space<hbm>> -> memref<7808xf32, #tpu.memory_space<hbm>>
    %dma_wait3A_326 = tpu.memref_slice %arg3[%dma_wait3A_323, %add3A_299] : memref<1x1000000xf32, #tpu.memory_space<hbm>> -> memref<1x7808xf32, #tpu.memory_space<hbm>>
    %dma_wait3A_327 = tpu.memref_squeeze %dma_wait3A_326 : memref<1x7808xf32, #tpu.memory_space<hbm>> -> memref<7808xf32, #tpu.memory_space<hbm>>
    tpu.wait_dma2 semaphore(%arg12 : memref<!tpu.dma_semaphore, #tpu.memory_space<semaphore_mem>>) src(%dma_wait3A_327 : memref<7808xf32, #tpu.memory_space<hbm>>) dst(%arg6 : memref<7808xf32, #tpu.memory_space<vmem>>)
    %add3A_328 = arith.constant 31232 : i32
    %add3A_329 = arith.addi %mul3A_4, %add3A_328 : i32
    %dma_start3A_330 = tpu.memref_slice %arg5[%add3A_329] : memref<1000000xf32, #tpu.memory_space<vmem_shared>> -> memref<7808xf32, #tpu.memory_space<vmem_shared>>
    %dma_start3A_331 = tpu.memref_slice %arg5[%add3A_329] : memref<1000000xf32, #tpu.memory_space<vmem_shared>> -> memref<7808xf32, #tpu.memory_space<vmem_shared>>
    tpu.enqueue_dma source(%arg6 : memref<7808xf32, #tpu.memory_space<vmem>>) target(%dma_start3A_331 : memref<7808xf32, #tpu.memory_space<vmem_shared>>) target_semaphore(%arg14 : memref<!tpu.dma_semaphore, #tpu.memory_space<semaphore_mem>>)
    %dma_wait3A_332 = tpu.memref_slice %arg5[%add3A_329] : memref<1000000xf32, #tpu.memory_space<vmem_shared>> -> memref<7808xf32, #tpu.memory_space<vmem_shared>>
    %dma_wait3A_333 = tpu.memref_slice %arg5[%add3A_329] : memref<1000000xf32, #tpu.memory_space<vmem_shared>> -> memref<7808xf32, #tpu.memory_space<vmem_shared>>
    tpu.wait_dma2 semaphore(%arg14 : memref<!tpu.dma_semaphore, #tpu.memory_space<semaphore_mem>>) src(%arg6 : memref<7808xf32, #tpu.memory_space<vmem>>) dst(%dma_wait3A_333 : memref<7808xf32, #tpu.memory_space<vmem_shared>>)
    %add3A_334 = arith.constant 46848 : i32
    %add3A_335 = arith.addi %mul3A_4, %add3A_334 : i32
    %dma_start3A_336 = arith.constant 0 : i32
    %dma_start3A_337 = tpu.memref_slice %arg3[%dma_start3A_336, %add3A_335] : memref<1x1000000xf32, #tpu.memory_space<hbm>> -> memref<1x7808xf32, #tpu.memory_space<hbm>>
    %dma_start3A_338 = tpu.memref_squeeze %dma_start3A_337 : memref<1x7808xf32, #tpu.memory_space<hbm>> -> memref<7808xf32, #tpu.memory_space<hbm>>
    %dma_start3A_339 = tpu.memref_slice %arg3[%dma_start3A_336, %add3A_335] : memref<1x1000000xf32, #tpu.memory_space<hbm>> -> memref<1x7808xf32, #tpu.memory_space<hbm>>
    %dma_start3A_340 = tpu.memref_squeeze %dma_start3A_339 : memref<1x7808xf32, #tpu.memory_space<hbm>> -> memref<7808xf32, #tpu.memory_space<hbm>>
    tpu.enqueue_dma source(%dma_start3A_340 : memref<7808xf32, #tpu.memory_space<hbm>>) target(%arg6 : memref<7808xf32, #tpu.memory_space<vmem>>) target_semaphore(%arg12 : memref<!tpu.dma_semaphore, #tpu.memory_space<semaphore_mem>>)
    %dma_wait3A_341 = arith.constant 0 : i32
    %dma_wait3A_342 = tpu.memref_slice %arg3[%dma_wait3A_341, %add3A_317] : memref<1x1000000xf32, #tpu.memory_space<hbm>> -> memref<1x7808xf32, #tpu.memory_space<hbm>>
    %dma_wait3A_343 = tpu.memref_squeeze %dma_wait3A_342 : memref<1x7808xf32, #tpu.memory_space<hbm>> -> memref<7808xf32, #tpu.memory_space<hbm>>
    %dma_wait3A_344 = tpu.memref_slice %arg3[%dma_wait3A_341, %add3A_317] : memref<1x1000000xf32, #tpu.memory_space<hbm>> -> memref<1x7808xf32, #tpu.memory_space<hbm>>
    %dma_wait3A_345 = tpu.memref_squeeze %dma_wait3A_344 : memref<1x7808xf32, #tpu.memory_space<hbm>> -> memref<7808xf32, #tpu.memory_space<hbm>>
    tpu.wait_dma2 semaphore(%arg13 : memref<!tpu.dma_semaphore, #tpu.memory_space<semaphore_mem>>) src(%dma_wait3A_345 : memref<7808xf32, #tpu.memory_space<hbm>>) dst(%arg7 : memref<7808xf32, #tpu.memory_space<vmem>>)
    %add3A_346 = arith.constant 39040 : i32
    %add3A_347 = arith.addi %mul3A_4, %add3A_346 : i32
    %dma_start3A_348 = tpu.memref_slice %arg5[%add3A_347] : memref<1000000xf32, #tpu.memory_space<vmem_shared>> -> memref<7808xf32, #tpu.memory_space<vmem_shared>>
    %dma_start3A_349 = tpu.memref_slice %arg5[%add3A_347] : memref<1000000xf32, #tpu.memory_space<vmem_shared>> -> memref<7808xf32, #tpu.memory_space<vmem_shared>>
    tpu.enqueue_dma source(%arg7 : memref<7808xf32, #tpu.memory_space<vmem>>) target(%dma_start3A_349 : memref<7808xf32, #tpu.memory_space<vmem_shared>>) target_semaphore(%arg15 : memref<!tpu.dma_semaphore, #tpu.memory_space<semaphore_mem>>)
    %dma_wait3A_350 = tpu.memref_slice %arg5[%add3A_347] : memref<1000000xf32, #tpu.memory_space<vmem_shared>> -> memref<7808xf32, #tpu.memory_space<vmem_shared>>
    %dma_wait3A_351 = tpu.memref_slice %arg5[%add3A_347] : memref<1000000xf32, #tpu.memory_space<vmem_shared>> -> memref<7808xf32, #tpu.memory_space<vmem_shared>>
    tpu.wait_dma2 semaphore(%arg15 : memref<!tpu.dma_semaphore, #tpu.memory_space<semaphore_mem>>) src(%arg7 : memref<7808xf32, #tpu.memory_space<vmem>>) dst(%dma_wait3A_351 : memref<7808xf32, #tpu.memory_space<vmem_shared>>)
    %add3A_352 = arith.constant 54656 : i32
    %add3A_353 = arith.addi %mul3A_4, %add3A_352 : i32
    %dma_start3A_354 = arith.constant 0 : i32
    %dma_start3A_355 = tpu.memref_slice %arg3[%dma_start3A_354, %add3A_353] : memref<1x1000000xf32, #tpu.memory_space<hbm>> -> memref<1x7808xf32, #tpu.memory_space<hbm>>
    %dma_start3A_356 = tpu.memref_squeeze %dma_start3A_355 : memref<1x7808xf32, #tpu.memory_space<hbm>> -> memref<7808xf32, #tpu.memory_space<hbm>>
    %dma_start3A_357 = tpu.memref_slice %arg3[%dma_start3A_354, %add3A_353] : memref<1x1000000xf32, #tpu.memory_space<hbm>> -> memref<1x7808xf32, #tpu.memory_space<hbm>>
    %dma_start3A_358 = tpu.memref_squeeze %dma_start3A_357 : memref<1x7808xf32, #tpu.memory_space<hbm>> -> memref<7808xf32, #tpu.memory_space<hbm>>
    tpu.enqueue_dma source(%dma_start3A_358 : memref<7808xf32, #tpu.memory_space<hbm>>) target(%arg7 : memref<7808xf32, #tpu.memory_space<vmem>>) target_semaphore(%arg13 : memref<!tpu.dma_semaphore, #tpu.memory_space<semaphore_mem>>)
    %dma_wait3A_359 = arith.constant 0 : i32
    %dma_wait3A_360 = tpu.memref_slice %arg3[%dma_wait3A_359, %add3A_335] : memref<1x1000000xf32, #tpu.memory_space<hbm>> -> memref<1x7808xf32, #tpu.memory_space<hbm>>
    %dma_wait3A_361 = tpu.memref_squeeze %dma_wait3A_360 : memref<1x7808xf32, #tpu.memory_space<hbm>> -> memref<7808xf32, #tpu.memory_space<hbm>>
    %dma_wait3A_362 = tpu.memref_slice %arg3[%dma_wait3A_359, %add3A_335] : memref<1x1000000xf32, #tpu.memory_space<hbm>> -> memref<1x7808xf32, #tpu.memory_space<hbm>>
    %dma_wait3A_363 = tpu.memref_squeeze %dma_wait3A_362 : memref<1x7808xf32, #tpu.memory_space<hbm>> -> memref<7808xf32, #tpu.memory_space<hbm>>
    tpu.wait_dma2 semaphore(%arg12 : memref<!tpu.dma_semaphore, #tpu.memory_space<semaphore_mem>>) src(%dma_wait3A_363 : memref<7808xf32, #tpu.memory_space<hbm>>) dst(%arg6 : memref<7808xf32, #tpu.memory_space<vmem>>)
    %add3A_364 = arith.constant 46848 : i32
    %add3A_365 = arith.addi %mul3A_4, %add3A_364 : i32
    %dma_start3A_366 = tpu.memref_slice %arg5[%add3A_365] : memref<1000000xf32, #tpu.memory_space<vmem_shared>> -> memref<7808xf32, #tpu.memory_space<vmem_shared>>
    %dma_start3A_367 = tpu.memref_slice %arg5[%add3A_365] : memref<1000000xf32, #tpu.memory_space<vmem_shared>> -> memref<7808xf32, #tpu.memory_space<vmem_shared>>
    tpu.enqueue_dma source(%arg6 : memref<7808xf32, #tpu.memory_space<vmem>>) target(%dma_start3A_367 : memref<7808xf32, #tpu.memory_space<vmem_shared>>) target_semaphore(%arg14 : memref<!tpu.dma_semaphore, #tpu.memory_space<semaphore_mem>>)
    %dma_wait3A_368 = arith.constant 0 : i32
    %dma_wait3A_369 = tpu.memref_slice %arg3[%dma_wait3A_368, %add3A_353] : memref<1x1000000xf32, #tpu.memory_space<hbm>> -> memref<1x7808xf32, #tpu.memory_space<hbm>>
    %dma_wait3A_370 = tpu.memref_squeeze %dma_wait3A_369 : memref<1x7808xf32, #tpu.memory_space<hbm>> -> memref<7808xf32, #tpu.memory_space<hbm>>
    %dma_wait3A_371 = tpu.memref_slice %arg3[%dma_wait3A_368, %add3A_353] : memref<1x1000000xf32, #tpu.memory_space<hbm>> -> memref<1x7808xf32, #tpu.memory_space<hbm>>
    %dma_wait3A_372 = tpu.memref_squeeze %dma_wait3A_371 : memref<1x7808xf32, #tpu.memory_space<hbm>> -> memref<7808xf32, #tpu.memory_space<hbm>>
    tpu.wait_dma2 semaphore(%arg13 : memref<!tpu.dma_semaphore, #tpu.memory_space<semaphore_mem>>) src(%dma_wait3A_372 : memref<7808xf32, #tpu.memory_space<hbm>>) dst(%arg7 : memref<7808xf32, #tpu.memory_space<vmem>>)
    %add3A_373 = arith.constant 54656 : i32
    %add3A_374 = arith.addi %mul3A_4, %add3A_373 : i32
    %dma_start3A_375 = tpu.memref_slice %arg5[%add3A_374] : memref<1000000xf32, #tpu.memory_space<vmem_shared>> -> memref<7808xf32, #tpu.memory_space<vmem_shared>>
    %dma_start3A_376 = tpu.memref_slice %arg5[%add3A_374] : memref<1000000xf32, #tpu.memory_space<vmem_shared>> -> memref<7808xf32, #tpu.memory_space<vmem_shared>>
    tpu.enqueue_dma source(%arg7 : memref<7808xf32, #tpu.memory_space<vmem>>) target(%dma_start3A_376 : memref<7808xf32, #tpu.memory_space<vmem_shared>>) target_semaphore(%arg15 : memref<!tpu.dma_semaphore, #tpu.memory_space<semaphore_mem>>)
    %dma_wait3A_377 = tpu.memref_slice %arg5[%add3A_365] : memref<1000000xf32, #tpu.memory_space<vmem_shared>> -> memref<7808xf32, #tpu.memory_space<vmem_shared>>
    %dma_wait3A_378 = tpu.memref_slice %arg5[%add3A_365] : memref<1000000xf32, #tpu.memory_space<vmem_shared>> -> memref<7808xf32, #tpu.memory_space<vmem_shared>>
    tpu.wait_dma2 semaphore(%arg14 : memref<!tpu.dma_semaphore, #tpu.memory_space<semaphore_mem>>) src(%arg6 : memref<7808xf32, #tpu.memory_space<vmem>>) dst(%dma_wait3A_378 : memref<7808xf32, #tpu.memory_space<vmem_shared>>)
    %dma_wait3A_379 = tpu.memref_slice %arg5[%add3A_374] : memref<1000000xf32, #tpu.memory_space<vmem_shared>> -> memref<7808xf32, #tpu.memory_space<vmem_shared>>
    %dma_wait3A_380 = tpu.memref_slice %arg5[%add3A_374] : memref<1000000xf32, #tpu.memory_space<vmem_shared>> -> memref<7808xf32, #tpu.memory_space<vmem_shared>>
    tpu.wait_dma2 semaphore(%arg15 : memref<!tpu.dma_semaphore, #tpu.memory_space<semaphore_mem>>) src(%arg7 : memref<7808xf32, #tpu.memory_space<vmem>>) dst(%dma_wait3A_380 : memref<7808xf32, #tpu.memory_space<vmem_shared>>)
    %eq3A = arith.constant 15 : i32
    %eq3A_381 = arith.cmpi eq, %arg1, %eq3A : i32
    %convert_element_type3A = arith.extui %eq3A_381 : i1 to i32
    %cond3A = arith.constant 0 : i32
    %cond3A_382 = arith.cmpi ne, %convert_element_type3A, %cond3A : i32
    scf.if %cond3A_382 {
      %run_scoped3A_652 = arith.constant 0 : i32
      "tpu.region"() ({
        %run_scoped3A_653 = tpu.sem_alloc : memref<!tpu.dma_semaphore, #tpu.memory_space<semaphore_mem>>
        %dma_start3A_654 = arith.constant 0 : i32
        %dma_start3A_655 = tpu.memref_slice %arg6[%dma_start3A_654] : memref<7808xf32, #tpu.memory_space<vmem>> -> memref<576xf32, #tpu.memory_space<vmem>>
        %dma_start3A_656 = arith.constant 999424 : i32
        %dma_start3A_657 = tpu.memref_slice %arg3[%run_scoped3A_652, %dma_start3A_656] : memref<1x1000000xf32, #tpu.memory_space<hbm>> -> memref<1x576xf32, #tpu.memory_space<hbm>>
        %dma_start3A_658 = tpu.memref_squeeze %dma_start3A_657 : memref<1x576xf32, #tpu.memory_space<hbm>> -> memref<576xf32, #tpu.memory_space<hbm>>
        %dma_start3A_659 = arith.constant 0 : i32
        %dma_start3A_660 = tpu.memref_slice %arg6[%dma_start3A_659] : memref<7808xf32, #tpu.memory_space<vmem>> -> memref<576xf32, #tpu.memory_space<vmem>>
        %dma_start3A_661 = arith.constant 999424 : i32
        %dma_start3A_662 = tpu.memref_slice %arg3[%run_scoped3A_652, %dma_start3A_661] : memref<1x1000000xf32, #tpu.memory_space<hbm>> -> memref<1x576xf32, #tpu.memory_space<hbm>>
        %dma_start3A_663 = tpu.memref_squeeze %dma_start3A_662 : memref<1x576xf32, #tpu.memory_space<hbm>> -> memref<576xf32, #tpu.memory_space<hbm>>
        tpu.enqueue_dma source(%dma_start3A_663 : memref<576xf32, #tpu.memory_space<hbm>>) target(%dma_start3A_660 : memref<576xf32, #tpu.memory_space<vmem>>) target_semaphore(%run_scoped3A_653 : memref<!tpu.dma_semaphore, #tpu.memory_space<semaphore_mem>>)
        %dma_wait3A_664 = arith.constant 0 : i32
        %dma_wait3A_665 = tpu.memref_slice %arg6[%dma_wait3A_664] : memref<7808xf32, #tpu.memory_space<vmem>> -> memref<576xf32, #tpu.memory_space<vmem>>
        %dma_wait3A_666 = arith.constant 999424 : i32
        %dma_wait3A_667 = tpu.memref_slice %arg3[%run_scoped3A_652, %dma_wait3A_666] : memref<1x1000000xf32, #tpu.memory_space<hbm>> -> memref<1x576xf32, #tpu.memory_space<hbm>>
        %dma_wait3A_668 = tpu.memref_squeeze %dma_wait3A_667 : memref<1x576xf32, #tpu.memory_space<hbm>> -> memref<576xf32, #tpu.memory_space<hbm>>
        %dma_wait3A_669 = arith.constant 0 : i32
        %dma_wait3A_670 = tpu.memref_slice %arg6[%dma_wait3A_669] : memref<7808xf32, #tpu.memory_space<vmem>> -> memref<576xf32, #tpu.memory_space<vmem>>
        %dma_wait3A_671 = arith.constant 999424 : i32
        %dma_wait3A_672 = tpu.memref_slice %arg3[%run_scoped3A_652, %dma_wait3A_671] : memref<1x1000000xf32, #tpu.memory_space<hbm>> -> memref<1x576xf32, #tpu.memory_space<hbm>>
        %dma_wait3A_673 = tpu.memref_squeeze %dma_wait3A_672 : memref<1x576xf32, #tpu.memory_space<hbm>> -> memref<576xf32, #tpu.memory_space<hbm>>
        tpu.wait_dma2 semaphore(%run_scoped3A_653 : memref<!tpu.dma_semaphore, #tpu.memory_space<semaphore_mem>>) src(%dma_wait3A_673 : memref<576xf32, #tpu.memory_space<hbm>>) dst(%dma_wait3A_670 : memref<576xf32, #tpu.memory_space<vmem>>)
        tpu.yield
      }) : () -> ()
      "tpu.region"() ({
        %run_scoped3A_653 = tpu.sem_alloc : memref<!tpu.dma_semaphore, #tpu.memory_space<semaphore_mem>>
        %dma_start3A_654 = arith.constant 0 : i32
        %dma_start3A_655 = tpu.memref_slice %arg6[%dma_start3A_654] : memref<7808xf32, #tpu.memory_space<vmem>> -> memref<576xf32, #tpu.memory_space<vmem>>
        %dma_start3A_656 = arith.constant 999424 : i32
        %dma_start3A_657 = tpu.memref_slice %arg5[%dma_start3A_656] : memref<1000000xf32, #tpu.memory_space<vmem_shared>> -> memref<576xf32, #tpu.memory_space<vmem_shared>>
        %dma_start3A_658 = arith.constant 999424 : i32
        %dma_start3A_659 = tpu.memref_slice %arg5[%dma_start3A_658] : memref<1000000xf32, #tpu.memory_space<vmem_shared>> -> memref<576xf32, #tpu.memory_space<vmem_shared>>
        %dma_start3A_660 = arith.constant 0 : i32
        %dma_start3A_661 = tpu.memref_slice %arg6[%dma_start3A_660] : memref<7808xf32, #tpu.memory_space<vmem>> -> memref<576xf32, #tpu.memory_space<vmem>>
        tpu.enqueue_dma source(%dma_start3A_661 : memref<576xf32, #tpu.memory_space<vmem>>) target(%dma_start3A_659 : memref<576xf32, #tpu.memory_space<vmem_shared>>) target_semaphore(%run_scoped3A_653 : memref<!tpu.dma_semaphore, #tpu.memory_space<semaphore_mem>>)
        %dma_wait3A_662 = arith.constant 0 : i32
        %dma_wait3A_663 = tpu.memref_slice %arg6[%dma_wait3A_662] : memref<7808xf32, #tpu.memory_space<vmem>> -> memref<576xf32, #tpu.memory_space<vmem>>
        %dma_wait3A_664 = arith.constant 999424 : i32
        %dma_wait3A_665 = tpu.memref_slice %arg5[%dma_wait3A_664] : memref<1000000xf32, #tpu.memory_space<vmem_shared>> -> memref<576xf32, #tpu.memory_space<vmem_shared>>
        %dma_wait3A_666 = arith.constant 999424 : i32
        %dma_wait3A_667 = tpu.memref_slice %arg5[%dma_wait3A_666] : memref<1000000xf32, #tpu.memory_space<vmem_shared>> -> memref<576xf32, #tpu.memory_space<vmem_shared>>
        %dma_wait3A_668 = arith.constant 0 : i32
        %dma_wait3A_669 = tpu.memref_slice %arg6[%dma_wait3A_668] : memref<7808xf32, #tpu.memory_space<vmem>> -> memref<576xf32, #tpu.memory_space<vmem>>
        tpu.wait_dma2 semaphore(%run_scoped3A_653 : memref<!tpu.dma_semaphore, #tpu.memory_space<semaphore_mem>>) src(%dma_wait3A_669 : memref<576xf32, #tpu.memory_space<vmem>>) dst(%dma_wait3A_667 : memref<576xf32, #tpu.memory_space<vmem_shared>>)
        tpu.yield
      }) : () -> ()
    } else {
    }
    %barrier3A = arith.constant 0 : index
    tpu.barrier barrier_id(%barrier3A)
    %dma_wait3A_383 = arith.constant 0 : i32
    %dma_wait3A_384 = arith.constant 0 : i32
    %dma_wait3A_385 = tpu.memref_slice %arg8[%dma_wait3A_384] : memref<13312xi32, #tpu.memory_space<vmem>> -> memref<512xi32, #tpu.memory_space<vmem>>
    %dma_wait3A_386 = tpu.memref_slice %arg2[%dma_wait3A_383, %mul3A_2] : memref<26x16384xi32, #tpu.memory_space<hbm>> -> memref<1x512xi32, #tpu.memory_space<hbm>>
    %dma_wait3A_387 = tpu.memref_squeeze %dma_wait3A_386 : memref<1x512xi32, #tpu.memory_space<hbm>> -> memref<512xi32, #tpu.memory_space<hbm>>
    %dma_wait3A_388 = arith.constant 0 : i32
    %dma_wait3A_389 = tpu.memref_slice %arg8[%dma_wait3A_388] : memref<13312xi32, #tpu.memory_space<vmem>> -> memref<512xi32, #tpu.memory_space<vmem>>
    %dma_wait3A_390 = tpu.memref_slice %arg2[%dma_wait3A_383, %mul3A_2] : memref<26x16384xi32, #tpu.memory_space<hbm>> -> memref<1x512xi32, #tpu.memory_space<hbm>>
    %dma_wait3A_391 = tpu.memref_squeeze %dma_wait3A_390 : memref<1x512xi32, #tpu.memory_space<hbm>> -> memref<512xi32, #tpu.memory_space<hbm>>
    tpu.wait_dma2 semaphore(%arg11 : memref<!tpu.dma_semaphore, #tpu.memory_space<semaphore_mem>>) src(%dma_wait3A_391 : memref<512xi32, #tpu.memory_space<hbm>>) dst(%dma_wait3A_389 : memref<512xi32, #tpu.memory_space<vmem>>)
    %dma_wait3A_392 = arith.constant 1 : i32
    %dma_wait3A_393 = arith.constant 512 : i32
    %dma_wait3A_394 = tpu.memref_slice %arg8[%dma_wait3A_393] : memref<13312xi32, #tpu.memory_space<vmem>> -> memref<512xi32, #tpu.memory_space<vmem>>
    %dma_wait3A_395 = tpu.memref_slice %arg2[%dma_wait3A_392, %mul3A_2] : memref<26x16384xi32, #tpu.memory_space<hbm>> -> memref<1x512xi32, #tpu.memory_space<hbm>>
    %dma_wait3A_396 = tpu.memref_squeeze %dma_wait3A_395 : memref<1x512xi32, #tpu.memory_space<hbm>> -> memref<512xi32, #tpu.memory_space<hbm>>
    %dma_wait3A_397 = arith.constant 512 : i32
    %dma_wait3A_398 = tpu.memref_slice %arg8[%dma_wait3A_397] : memref<13312xi32, #tpu.memory_space<vmem>> -> memref<512xi32, #tpu.memory_space<vmem>>
    %dma_wait3A_399 = tpu.memref_slice %arg2[%dma_wait3A_392, %mul3A_2] : memref<26x16384xi32, #tpu.memory_space<hbm>> -> memref<1x512xi32, #tpu.memory_space<hbm>>
    %dma_wait3A_400 = tpu.memref_squeeze %dma_wait3A_399 : memref<1x512xi32, #tpu.memory_space<hbm>> -> memref<512xi32, #tpu.memory_space<hbm>>
    tpu.wait_dma2 semaphore(%arg11 : memref<!tpu.dma_semaphore, #tpu.memory_space<semaphore_mem>>) src(%dma_wait3A_400 : memref<512xi32, #tpu.memory_space<hbm>>) dst(%dma_wait3A_398 : memref<512xi32, #tpu.memory_space<vmem>>)
    %dma_wait3A_401 = arith.constant 2 : i32
    %dma_wait3A_402 = arith.constant 1024 : i32
    %dma_wait3A_403 = tpu.memref_slice %arg8[%dma_wait3A_402] : memref<13312xi32, #tpu.memory_space<vmem>> -> memref<512xi32, #tpu.memory_space<vmem>>
    %dma_wait3A_404 = tpu.memref_slice %arg2[%dma_wait3A_401, %mul3A_2] : memref<26x16384xi32, #tpu.memory_space<hbm>> -> memref<1x512xi32, #tpu.memory_space<hbm>>
    %dma_wait3A_405 = tpu.memref_squeeze %dma_wait3A_404 : memref<1x512xi32, #tpu.memory_space<hbm>> -> memref<512xi32, #tpu.memory_space<hbm>>
    %dma_wait3A_406 = arith.constant 1024 : i32
    %dma_wait3A_407 = tpu.memref_slice %arg8[%dma_wait3A_406] : memref<13312xi32, #tpu.memory_space<vmem>> -> memref<512xi32, #tpu.memory_space<vmem>>
    %dma_wait3A_408 = tpu.memref_slice %arg2[%dma_wait3A_401, %mul3A_2] : memref<26x16384xi32, #tpu.memory_space<hbm>> -> memref<1x512xi32, #tpu.memory_space<hbm>>
    %dma_wait3A_409 = tpu.memref_squeeze %dma_wait3A_408 : memref<1x512xi32, #tpu.memory_space<hbm>> -> memref<512xi32, #tpu.memory_space<hbm>>
    tpu.wait_dma2 semaphore(%arg11 : memref<!tpu.dma_semaphore, #tpu.memory_space<semaphore_mem>>) src(%dma_wait3A_409 : memref<512xi32, #tpu.memory_space<hbm>>) dst(%dma_wait3A_407 : memref<512xi32, #tpu.memory_space<vmem>>)
    %dma_wait3A_410 = arith.constant 3 : i32
    %dma_wait3A_411 = arith.constant 1536 : i32
    %dma_wait3A_412 = tpu.memref_slice %arg8[%dma_wait3A_411] : memref<13312xi32, #tpu.memory_space<vmem>> -> memref<512xi32, #tpu.memory_space<vmem>>
    %dma_wait3A_413 = tpu.memref_slice %arg2[%dma_wait3A_410, %mul3A_2] : memref<26x16384xi32, #tpu.memory_space<hbm>> -> memref<1x512xi32, #tpu.memory_space<hbm>>
    %dma_wait3A_414 = tpu.memref_squeeze %dma_wait3A_413 : memref<1x512xi32, #tpu.memory_space<hbm>> -> memref<512xi32, #tpu.memory_space<hbm>>
    %dma_wait3A_415 = arith.constant 1536 : i32
    %dma_wait3A_416 = tpu.memref_slice %arg8[%dma_wait3A_415] : memref<13312xi32, #tpu.memory_space<vmem>> -> memref<512xi32, #tpu.memory_space<vmem>>
    %dma_wait3A_417 = tpu.memref_slice %arg2[%dma_wait3A_410, %mul3A_2] : memref<26x16384xi32, #tpu.memory_space<hbm>> -> memref<1x512xi32, #tpu.memory_space<hbm>>
    %dma_wait3A_418 = tpu.memref_squeeze %dma_wait3A_417 : memref<1x512xi32, #tpu.memory_space<hbm>> -> memref<512xi32, #tpu.memory_space<hbm>>
    tpu.wait_dma2 semaphore(%arg11 : memref<!tpu.dma_semaphore, #tpu.memory_space<semaphore_mem>>) src(%dma_wait3A_418 : memref<512xi32, #tpu.memory_space<hbm>>) dst(%dma_wait3A_416 : memref<512xi32, #tpu.memory_space<vmem>>)
    %dma_wait3A_419 = arith.constant 4 : i32
    %dma_wait3A_420 = arith.constant 2048 : i32
    %dma_wait3A_421 = tpu.memref_slice %arg8[%dma_wait3A_420] : memref<13312xi32, #tpu.memory_space<vmem>> -> memref<512xi32, #tpu.memory_space<vmem>>
    %dma_wait3A_422 = tpu.memref_slice %arg2[%dma_wait3A_419, %mul3A_2] : memref<26x16384xi32, #tpu.memory_space<hbm>> -> memref<1x512xi32, #tpu.memory_space<hbm>>
    %dma_wait3A_423 = tpu.memref_squeeze %dma_wait3A_422 : memref<1x512xi32, #tpu.memory_space<hbm>> -> memref<512xi32, #tpu.memory_space<hbm>>
    %dma_wait3A_424 = arith.constant 2048 : i32
    %dma_wait3A_425 = tpu.memref_slice %arg8[%dma_wait3A_424] : memref<13312xi32, #tpu.memory_space<vmem>> -> memref<512xi32, #tpu.memory_space<vmem>>
    %dma_wait3A_426 = tpu.memref_slice %arg2[%dma_wait3A_419, %mul3A_2] : memref<26x16384xi32, #tpu.memory_space<hbm>> -> memref<1x512xi32, #tpu.memory_space<hbm>>
    %dma_wait3A_427 = tpu.memref_squeeze %dma_wait3A_426 : memref<1x512xi32, #tpu.memory_space<hbm>> -> memref<512xi32, #tpu.memory_space<hbm>>
    tpu.wait_dma2 semaphore(%arg11 : memref<!tpu.dma_semaphore, #tpu.memory_space<semaphore_mem>>) src(%dma_wait3A_427 : memref<512xi32, #tpu.memory_space<hbm>>) dst(%dma_wait3A_425 : memref<512xi32, #tpu.memory_space<vmem>>)
    %dma_wait3A_428 = arith.constant 5 : i32
    %dma_wait3A_429 = arith.constant 2560 : i32
    %dma_wait3A_430 = tpu.memref_slice %arg8[%dma_wait3A_429] : memref<13312xi32, #tpu.memory_space<vmem>> -> memref<512xi32, #tpu.memory_space<vmem>>
    %dma_wait3A_431 = tpu.memref_slice %arg2[%dma_wait3A_428, %mul3A_2] : memref<26x16384xi32, #tpu.memory_space<hbm>> -> memref<1x512xi32, #tpu.memory_space<hbm>>
    %dma_wait3A_432 = tpu.memref_squeeze %dma_wait3A_431 : memref<1x512xi32, #tpu.memory_space<hbm>> -> memref<512xi32, #tpu.memory_space<hbm>>
    %dma_wait3A_433 = arith.constant 2560 : i32
    %dma_wait3A_434 = tpu.memref_slice %arg8[%dma_wait3A_433] : memref<13312xi32, #tpu.memory_space<vmem>> -> memref<512xi32, #tpu.memory_space<vmem>>
    %dma_wait3A_435 = tpu.memref_slice %arg2[%dma_wait3A_428, %mul3A_2] : memref<26x16384xi32, #tpu.memory_space<hbm>> -> memref<1x512xi32, #tpu.memory_space<hbm>>
    %dma_wait3A_436 = tpu.memref_squeeze %dma_wait3A_435 : memref<1x512xi32, #tpu.memory_space<hbm>> -> memref<512xi32, #tpu.memory_space<hbm>>
    tpu.wait_dma2 semaphore(%arg11 : memref<!tpu.dma_semaphore, #tpu.memory_space<semaphore_mem>>) src(%dma_wait3A_436 : memref<512xi32, #tpu.memory_space<hbm>>) dst(%dma_wait3A_434 : memref<512xi32, #tpu.memory_space<vmem>>)
    %dma_wait3A_437 = arith.constant 6 : i32
    %dma_wait3A_438 = arith.constant 3072 : i32
    %dma_wait3A_439 = tpu.memref_slice %arg8[%dma_wait3A_438] : memref<13312xi32, #tpu.memory_space<vmem>> -> memref<512xi32, #tpu.memory_space<vmem>>
    %dma_wait3A_440 = tpu.memref_slice %arg2[%dma_wait3A_437, %mul3A_2] : memref<26x16384xi32, #tpu.memory_space<hbm>> -> memref<1x512xi32, #tpu.memory_space<hbm>>
    %dma_wait3A_441 = tpu.memref_squeeze %dma_wait3A_440 : memref<1x512xi32, #tpu.memory_space<hbm>> -> memref<512xi32, #tpu.memory_space<hbm>>
    %dma_wait3A_442 = arith.constant 3072 : i32
    %dma_wait3A_443 = tpu.memref_slice %arg8[%dma_wait3A_442] : memref<13312xi32, #tpu.memory_space<vmem>> -> memref<512xi32, #tpu.memory_space<vmem>>
    %dma_wait3A_444 = tpu.memref_slice %arg2[%dma_wait3A_437, %mul3A_2] : memref<26x16384xi32, #tpu.memory_space<hbm>> -> memref<1x512xi32, #tpu.memory_space<hbm>>
    %dma_wait3A_445 = tpu.memref_squeeze %dma_wait3A_444 : memref<1x512xi32, #tpu.memory_space<hbm>> -> memref<512xi32, #tpu.memory_space<hbm>>
    tpu.wait_dma2 semaphore(%arg11 : memref<!tpu.dma_semaphore, #tpu.memory_space<semaphore_mem>>) src(%dma_wait3A_445 : memref<512xi32, #tpu.memory_space<hbm>>) dst(%dma_wait3A_443 : memref<512xi32, #tpu.memory_space<vmem>>)
    %dma_wait3A_446 = arith.constant 7 : i32
    %dma_wait3A_447 = arith.constant 3584 : i32
    %dma_wait3A_448 = tpu.memref_slice %arg8[%dma_wait3A_447] : memref<13312xi32, #tpu.memory_space<vmem>> -> memref<512xi32, #tpu.memory_space<vmem>>
    %dma_wait3A_449 = tpu.memref_slice %arg2[%dma_wait3A_446, %mul3A_2] : memref<26x16384xi32, #tpu.memory_space<hbm>> -> memref<1x512xi32, #tpu.memory_space<hbm>>
    %dma_wait3A_450 = tpu.memref_squeeze %dma_wait3A_449 : memref<1x512xi32, #tpu.memory_space<hbm>> -> memref<512xi32, #tpu.memory_space<hbm>>
    %dma_wait3A_451 = arith.constant 3584 : i32
    %dma_wait3A_452 = tpu.memref_slice %arg8[%dma_wait3A_451] : memref<13312xi32, #tpu.memory_space<vmem>> -> memref<512xi32, #tpu.memory_space<vmem>>
    %dma_wait3A_453 = tpu.memref_slice %arg2[%dma_wait3A_446, %mul3A_2] : memref<26x16384xi32, #tpu.memory_space<hbm>> -> memref<1x512xi32, #tpu.memory_space<hbm>>
    %dma_wait3A_454 = tpu.memref_squeeze %dma_wait3A_453 : memref<1x512xi32, #tpu.memory_space<hbm>> -> memref<512xi32, #tpu.memory_space<hbm>>
    tpu.wait_dma2 semaphore(%arg11 : memref<!tpu.dma_semaphore, #tpu.memory_space<semaphore_mem>>) src(%dma_wait3A_454 : memref<512xi32, #tpu.memory_space<hbm>>) dst(%dma_wait3A_452 : memref<512xi32, #tpu.memory_space<vmem>>)
    %dma_wait3A_455 = arith.constant 8 : i32
    %dma_wait3A_456 = arith.constant 4096 : i32
    %dma_wait3A_457 = tpu.memref_slice %arg8[%dma_wait3A_456] : memref<13312xi32, #tpu.memory_space<vmem>> -> memref<512xi32, #tpu.memory_space<vmem>>
    %dma_wait3A_458 = tpu.memref_slice %arg2[%dma_wait3A_455, %mul3A_2] : memref<26x16384xi32, #tpu.memory_space<hbm>> -> memref<1x512xi32, #tpu.memory_space<hbm>>
    %dma_wait3A_459 = tpu.memref_squeeze %dma_wait3A_458 : memref<1x512xi32, #tpu.memory_space<hbm>> -> memref<512xi32, #tpu.memory_space<hbm>>
    %dma_wait3A_460 = arith.constant 4096 : i32
    %dma_wait3A_461 = tpu.memref_slice %arg8[%dma_wait3A_460] : memref<13312xi32, #tpu.memory_space<vmem>> -> memref<512xi32, #tpu.memory_space<vmem>>
    %dma_wait3A_462 = tpu.memref_slice %arg2[%dma_wait3A_455, %mul3A_2] : memref<26x16384xi32, #tpu.memory_space<hbm>> -> memref<1x512xi32, #tpu.memory_space<hbm>>
    %dma_wait3A_463 = tpu.memref_squeeze %dma_wait3A_462 : memref<1x512xi32, #tpu.memory_space<hbm>> -> memref<512xi32, #tpu.memory_space<hbm>>
    tpu.wait_dma2 semaphore(%arg11 : memref<!tpu.dma_semaphore, #tpu.memory_space<semaphore_mem>>) src(%dma_wait3A_463 : memref<512xi32, #tpu.memory_space<hbm>>) dst(%dma_wait3A_461 : memref<512xi32, #tpu.memory_space<vmem>>)
    %dma_wait3A_464 = arith.constant 9 : i32
    %dma_wait3A_465 = arith.constant 4608 : i32
    %dma_wait3A_466 = tpu.memref_slice %arg8[%dma_wait3A_465] : memref<13312xi32, #tpu.memory_space<vmem>> -> memref<512xi32, #tpu.memory_space<vmem>>
    %dma_wait3A_467 = tpu.memref_slice %arg2[%dma_wait3A_464, %mul3A_2] : memref<26x16384xi32, #tpu.memory_space<hbm>> -> memref<1x512xi32, #tpu.memory_space<hbm>>
    %dma_wait3A_468 = tpu.memref_squeeze %dma_wait3A_467 : memref<1x512xi32, #tpu.memory_space<hbm>> -> memref<512xi32, #tpu.memory_space<hbm>>
    %dma_wait3A_469 = arith.constant 4608 : i32
    %dma_wait3A_470 = tpu.memref_slice %arg8[%dma_wait3A_469] : memref<13312xi32, #tpu.memory_space<vmem>> -> memref<512xi32, #tpu.memory_space<vmem>>
    %dma_wait3A_471 = tpu.memref_slice %arg2[%dma_wait3A_464, %mul3A_2] : memref<26x16384xi32, #tpu.memory_space<hbm>> -> memref<1x512xi32, #tpu.memory_space<hbm>>
    %dma_wait3A_472 = tpu.memref_squeeze %dma_wait3A_471 : memref<1x512xi32, #tpu.memory_space<hbm>> -> memref<512xi32, #tpu.memory_space<hbm>>
    tpu.wait_dma2 semaphore(%arg11 : memref<!tpu.dma_semaphore, #tpu.memory_space<semaphore_mem>>) src(%dma_wait3A_472 : memref<512xi32, #tpu.memory_space<hbm>>) dst(%dma_wait3A_470 : memref<512xi32, #tpu.memory_space<vmem>>)
    %dma_wait3A_473 = arith.constant 10 : i32
    %dma_wait3A_474 = arith.constant 5120 : i32
    %dma_wait3A_475 = tpu.memref_slice %arg8[%dma_wait3A_474] : memref<13312xi32, #tpu.memory_space<vmem>> -> memref<512xi32, #tpu.memory_space<vmem>>
    %dma_wait3A_476 = tpu.memref_slice %arg2[%dma_wait3A_473, %mul3A_2] : memref<26x16384xi32, #tpu.memory_space<hbm>> -> memref<1x512xi32, #tpu.memory_space<hbm>>
    %dma_wait3A_477 = tpu.memref_squeeze %dma_wait3A_476 : memref<1x512xi32, #tpu.memory_space<hbm>> -> memref<512xi32, #tpu.memory_space<hbm>>
    %dma_wait3A_478 = arith.constant 5120 : i32
    %dma_wait3A_479 = tpu.memref_slice %arg8[%dma_wait3A_478] : memref<13312xi32, #tpu.memory_space<vmem>> -> memref<512xi32, #tpu.memory_space<vmem>>
    %dma_wait3A_480 = tpu.memref_slice %arg2[%dma_wait3A_473, %mul3A_2] : memref<26x16384xi32, #tpu.memory_space<hbm>> -> memref<1x512xi32, #tpu.memory_space<hbm>>
    %dma_wait3A_481 = tpu.memref_squeeze %dma_wait3A_480 : memref<1x512xi32, #tpu.memory_space<hbm>> -> memref<512xi32, #tpu.memory_space<hbm>>
    tpu.wait_dma2 semaphore(%arg11 : memref<!tpu.dma_semaphore, #tpu.memory_space<semaphore_mem>>) src(%dma_wait3A_481 : memref<512xi32, #tpu.memory_space<hbm>>) dst(%dma_wait3A_479 : memref<512xi32, #tpu.memory_space<vmem>>)
    %dma_wait3A_482 = arith.constant 11 : i32
    %dma_wait3A_483 = arith.constant 5632 : i32
    %dma_wait3A_484 = tpu.memref_slice %arg8[%dma_wait3A_483] : memref<13312xi32, #tpu.memory_space<vmem>> -> memref<512xi32, #tpu.memory_space<vmem>>
    %dma_wait3A_485 = tpu.memref_slice %arg2[%dma_wait3A_482, %mul3A_2] : memref<26x16384xi32, #tpu.memory_space<hbm>> -> memref<1x512xi32, #tpu.memory_space<hbm>>
    %dma_wait3A_486 = tpu.memref_squeeze %dma_wait3A_485 : memref<1x512xi32, #tpu.memory_space<hbm>> -> memref<512xi32, #tpu.memory_space<hbm>>
    %dma_wait3A_487 = arith.constant 5632 : i32
    %dma_wait3A_488 = tpu.memref_slice %arg8[%dma_wait3A_487] : memref<13312xi32, #tpu.memory_space<vmem>> -> memref<512xi32, #tpu.memory_space<vmem>>
    %dma_wait3A_489 = tpu.memref_slice %arg2[%dma_wait3A_482, %mul3A_2] : memref<26x16384xi32, #tpu.memory_space<hbm>> -> memref<1x512xi32, #tpu.memory_space<hbm>>
    %dma_wait3A_490 = tpu.memref_squeeze %dma_wait3A_489 : memref<1x512xi32, #tpu.memory_space<hbm>> -> memref<512xi32, #tpu.memory_space<hbm>>
    tpu.wait_dma2 semaphore(%arg11 : memref<!tpu.dma_semaphore, #tpu.memory_space<semaphore_mem>>) src(%dma_wait3A_490 : memref<512xi32, #tpu.memory_space<hbm>>) dst(%dma_wait3A_488 : memref<512xi32, #tpu.memory_space<vmem>>)
    %dma_wait3A_491 = arith.constant 12 : i32
    %dma_wait3A_492 = arith.constant 6144 : i32
    %dma_wait3A_493 = tpu.memref_slice %arg8[%dma_wait3A_492] : memref<13312xi32, #tpu.memory_space<vmem>> -> memref<512xi32, #tpu.memory_space<vmem>>
    %dma_wait3A_494 = tpu.memref_slice %arg2[%dma_wait3A_491, %mul3A_2] : memref<26x16384xi32, #tpu.memory_space<hbm>> -> memref<1x512xi32, #tpu.memory_space<hbm>>
    %dma_wait3A_495 = tpu.memref_squeeze %dma_wait3A_494 : memref<1x512xi32, #tpu.memory_space<hbm>> -> memref<512xi32, #tpu.memory_space<hbm>>
    %dma_wait3A_496 = arith.constant 6144 : i32
    %dma_wait3A_497 = tpu.memref_slice %arg8[%dma_wait3A_496] : memref<13312xi32, #tpu.memory_space<vmem>> -> memref<512xi32, #tpu.memory_space<vmem>>
    %dma_wait3A_498 = tpu.memref_slice %arg2[%dma_wait3A_491, %mul3A_2] : memref<26x16384xi32, #tpu.memory_space<hbm>> -> memref<1x512xi32, #tpu.memory_space<hbm>>
    %dma_wait3A_499 = tpu.memref_squeeze %dma_wait3A_498 : memref<1x512xi32, #tpu.memory_space<hbm>> -> memref<512xi32, #tpu.memory_space<hbm>>
    tpu.wait_dma2 semaphore(%arg11 : memref<!tpu.dma_semaphore, #tpu.memory_space<semaphore_mem>>) src(%dma_wait3A_499 : memref<512xi32, #tpu.memory_space<hbm>>) dst(%dma_wait3A_497 : memref<512xi32, #tpu.memory_space<vmem>>)
    %dma_wait3A_500 = arith.constant 13 : i32
    %dma_wait3A_501 = arith.constant 6656 : i32
    %dma_wait3A_502 = tpu.memref_slice %arg8[%dma_wait3A_501] : memref<13312xi32, #tpu.memory_space<vmem>> -> memref<512xi32, #tpu.memory_space<vmem>>
    %dma_wait3A_503 = tpu.memref_slice %arg2[%dma_wait3A_500, %mul3A_2] : memref<26x16384xi32, #tpu.memory_space<hbm>> -> memref<1x512xi32, #tpu.memory_space<hbm>>
    %dma_wait3A_504 = tpu.memref_squeeze %dma_wait3A_503 : memref<1x512xi32, #tpu.memory_space<hbm>> -> memref<512xi32, #tpu.memory_space<hbm>>
    %dma_wait3A_505 = arith.constant 6656 : i32
    %dma_wait3A_506 = tpu.memref_slice %arg8[%dma_wait3A_505] : memref<13312xi32, #tpu.memory_space<vmem>> -> memref<512xi32, #tpu.memory_space<vmem>>
    %dma_wait3A_507 = tpu.memref_slice %arg2[%dma_wait3A_500, %mul3A_2] : memref<26x16384xi32, #tpu.memory_space<hbm>> -> memref<1x512xi32, #tpu.memory_space<hbm>>
    %dma_wait3A_508 = tpu.memref_squeeze %dma_wait3A_507 : memref<1x512xi32, #tpu.memory_space<hbm>> -> memref<512xi32, #tpu.memory_space<hbm>>
    tpu.wait_dma2 semaphore(%arg11 : memref<!tpu.dma_semaphore, #tpu.memory_space<semaphore_mem>>) src(%dma_wait3A_508 : memref<512xi32, #tpu.memory_space<hbm>>) dst(%dma_wait3A_506 : memref<512xi32, #tpu.memory_space<vmem>>)
    %dma_wait3A_509 = arith.constant 14 : i32
    %dma_wait3A_510 = arith.constant 7168 : i32
    %dma_wait3A_511 = tpu.memref_slice %arg8[%dma_wait3A_510] : memref<13312xi32, #tpu.memory_space<vmem>> -> memref<512xi32, #tpu.memory_space<vmem>>
    %dma_wait3A_512 = tpu.memref_slice %arg2[%dma_wait3A_509, %mul3A_2] : memref<26x16384xi32, #tpu.memory_space<hbm>> -> memref<1x512xi32, #tpu.memory_space<hbm>>
    %dma_wait3A_513 = tpu.memref_squeeze %dma_wait3A_512 : memref<1x512xi32, #tpu.memory_space<hbm>> -> memref<512xi32, #tpu.memory_space<hbm>>
    %dma_wait3A_514 = arith.constant 7168 : i32
    %dma_wait3A_515 = tpu.memref_slice %arg8[%dma_wait3A_514] : memref<13312xi32, #tpu.memory_space<vmem>> -> memref<512xi32, #tpu.memory_space<vmem>>
    %dma_wait3A_516 = tpu.memref_slice %arg2[%dma_wait3A_509, %mul3A_2] : memref<26x16384xi32, #tpu.memory_space<hbm>> -> memref<1x512xi32, #tpu.memory_space<hbm>>
    %dma_wait3A_517 = tpu.memref_squeeze %dma_wait3A_516 : memref<1x512xi32, #tpu.memory_space<hbm>> -> memref<512xi32, #tpu.memory_space<hbm>>
    tpu.wait_dma2 semaphore(%arg11 : memref<!tpu.dma_semaphore, #tpu.memory_space<semaphore_mem>>) src(%dma_wait3A_517 : memref<512xi32, #tpu.memory_space<hbm>>) dst(%dma_wait3A_515 : memref<512xi32, #tpu.memory_space<vmem>>)
    %dma_wait3A_518 = arith.constant 15 : i32
    %dma_wait3A_519 = arith.constant 7680 : i32
    %dma_wait3A_520 = tpu.memref_slice %arg8[%dma_wait3A_519] : memref<13312xi32, #tpu.memory_space<vmem>> -> memref<512xi32, #tpu.memory_space<vmem>>
    %dma_wait3A_521 = tpu.memref_slice %arg2[%dma_wait3A_518, %mul3A_2] : memref<26x16384xi32, #tpu.memory_space<hbm>> -> memref<1x512xi32, #tpu.memory_space<hbm>>
    %dma_wait3A_522 = tpu.memref_squeeze %dma_wait3A_521 : memref<1x512xi32, #tpu.memory_space<hbm>> -> memref<512xi32, #tpu.memory_space<hbm>>
    %dma_wait3A_523 = arith.constant 7680 : i32
    %dma_wait3A_524 = tpu.memref_slice %arg8[%dma_wait3A_523] : memref<13312xi32, #tpu.memory_space<vmem>> -> memref<512xi32, #tpu.memory_space<vmem>>
    %dma_wait3A_525 = tpu.memref_slice %arg2[%dma_wait3A_518, %mul3A_2] : memref<26x16384xi32, #tpu.memory_space<hbm>> -> memref<1x512xi32, #tpu.memory_space<hbm>>
    %dma_wait3A_526 = tpu.memref_squeeze %dma_wait3A_525 : memref<1x512xi32, #tpu.memory_space<hbm>> -> memref<512xi32, #tpu.memory_space<hbm>>
    tpu.wait_dma2 semaphore(%arg11 : memref<!tpu.dma_semaphore, #tpu.memory_space<semaphore_mem>>) src(%dma_wait3A_526 : memref<512xi32, #tpu.memory_space<hbm>>) dst(%dma_wait3A_524 : memref<512xi32, #tpu.memory_space<vmem>>)
    %dma_wait3A_527 = arith.constant 16 : i32
    %dma_wait3A_528 = arith.constant 8192 : i32
    %dma_wait3A_529 = tpu.memref_slice %arg8[%dma_wait3A_528] : memref<13312xi32, #tpu.memory_space<vmem>> -> memref<512xi32, #tpu.memory_space<vmem>>
    %dma_wait3A_530 = tpu.memref_slice %arg2[%dma_wait3A_527, %mul3A_2] : memref<26x16384xi32, #tpu.memory_space<hbm>> -> memref<1x512xi32, #tpu.memory_space<hbm>>
    %dma_wait3A_531 = tpu.memref_squeeze %dma_wait3A_530 : memref<1x512xi32, #tpu.memory_space<hbm>> -> memref<512xi32, #tpu.memory_space<hbm>>
    %dma_wait3A_532 = arith.constant 8192 : i32
    %dma_wait3A_533 = tpu.memref_slice %arg8[%dma_wait3A_532] : memref<13312xi32, #tpu.memory_space<vmem>> -> memref<512xi32, #tpu.memory_space<vmem>>
    %dma_wait3A_534 = tpu.memref_slice %arg2[%dma_wait3A_527, %mul3A_2] : memref<26x16384xi32, #tpu.memory_space<hbm>> -> memref<1x512xi32, #tpu.memory_space<hbm>>
    %dma_wait3A_535 = tpu.memref_squeeze %dma_wait3A_534 : memref<1x512xi32, #tpu.memory_space<hbm>> -> memref<512xi32, #tpu.memory_space<hbm>>
    tpu.wait_dma2 semaphore(%arg11 : memref<!tpu.dma_semaphore, #tpu.memory_space<semaphore_mem>>) src(%dma_wait3A_535 : memref<512xi32, #tpu.memory_space<hbm>>) dst(%dma_wait3A_533 : memref<512xi32, #tpu.memory_space<vmem>>)
    %dma_wait3A_536 = arith.constant 17 : i32
    %dma_wait3A_537 = arith.constant 8704 : i32
    %dma_wait3A_538 = tpu.memref_slice %arg8[%dma_wait3A_537] : memref<13312xi32, #tpu.memory_space<vmem>> -> memref<512xi32, #tpu.memory_space<vmem>>
    %dma_wait3A_539 = tpu.memref_slice %arg2[%dma_wait3A_536, %mul3A_2] : memref<26x16384xi32, #tpu.memory_space<hbm>> -> memref<1x512xi32, #tpu.memory_space<hbm>>
    %dma_wait3A_540 = tpu.memref_squeeze %dma_wait3A_539 : memref<1x512xi32, #tpu.memory_space<hbm>> -> memref<512xi32, #tpu.memory_space<hbm>>
    %dma_wait3A_541 = arith.constant 8704 : i32
    %dma_wait3A_542 = tpu.memref_slice %arg8[%dma_wait3A_541] : memref<13312xi32, #tpu.memory_space<vmem>> -> memref<512xi32, #tpu.memory_space<vmem>>
    %dma_wait3A_543 = tpu.memref_slice %arg2[%dma_wait3A_536, %mul3A_2] : memref<26x16384xi32, #tpu.memory_space<hbm>> -> memref<1x512xi32, #tpu.memory_space<hbm>>
    %dma_wait3A_544 = tpu.memref_squeeze %dma_wait3A_543 : memref<1x512xi32, #tpu.memory_space<hbm>> -> memref<512xi32, #tpu.memory_space<hbm>>
    tpu.wait_dma2 semaphore(%arg11 : memref<!tpu.dma_semaphore, #tpu.memory_space<semaphore_mem>>) src(%dma_wait3A_544 : memref<512xi32, #tpu.memory_space<hbm>>) dst(%dma_wait3A_542 : memref<512xi32, #tpu.memory_space<vmem>>)
    %dma_wait3A_545 = arith.constant 18 : i32
    %dma_wait3A_546 = arith.constant 9216 : i32
    %dma_wait3A_547 = tpu.memref_slice %arg8[%dma_wait3A_546] : memref<13312xi32, #tpu.memory_space<vmem>> -> memref<512xi32, #tpu.memory_space<vmem>>
    %dma_wait3A_548 = tpu.memref_slice %arg2[%dma_wait3A_545, %mul3A_2] : memref<26x16384xi32, #tpu.memory_space<hbm>> -> memref<1x512xi32, #tpu.memory_space<hbm>>
    %dma_wait3A_549 = tpu.memref_squeeze %dma_wait3A_548 : memref<1x512xi32, #tpu.memory_space<hbm>> -> memref<512xi32, #tpu.memory_space<hbm>>
    %dma_wait3A_550 = arith.constant 9216 : i32
    %dma_wait3A_551 = tpu.memref_slice %arg8[%dma_wait3A_550] : memref<13312xi32, #tpu.memory_space<vmem>> -> memref<512xi32, #tpu.memory_space<vmem>>
    %dma_wait3A_552 = tpu.memref_slice %arg2[%dma_wait3A_545, %mul3A_2] : memref<26x16384xi32, #tpu.memory_space<hbm>> -> memref<1x512xi32, #tpu.memory_space<hbm>>
    %dma_wait3A_553 = tpu.memref_squeeze %dma_wait3A_552 : memref<1x512xi32, #tpu.memory_space<hbm>> -> memref<512xi32, #tpu.memory_space<hbm>>
    tpu.wait_dma2 semaphore(%arg11 : memref<!tpu.dma_semaphore, #tpu.memory_space<semaphore_mem>>) src(%dma_wait3A_553 : memref<512xi32, #tpu.memory_space<hbm>>) dst(%dma_wait3A_551 : memref<512xi32, #tpu.memory_space<vmem>>)
    %dma_wait3A_554 = arith.constant 19 : i32
    %dma_wait3A_555 = arith.constant 9728 : i32
    %dma_wait3A_556 = tpu.memref_slice %arg8[%dma_wait3A_555] : memref<13312xi32, #tpu.memory_space<vmem>> -> memref<512xi32, #tpu.memory_space<vmem>>
    %dma_wait3A_557 = tpu.memref_slice %arg2[%dma_wait3A_554, %mul3A_2] : memref<26x16384xi32, #tpu.memory_space<hbm>> -> memref<1x512xi32, #tpu.memory_space<hbm>>
    %dma_wait3A_558 = tpu.memref_squeeze %dma_wait3A_557 : memref<1x512xi32, #tpu.memory_space<hbm>> -> memref<512xi32, #tpu.memory_space<hbm>>
    %dma_wait3A_559 = arith.constant 9728 : i32
    %dma_wait3A_560 = tpu.memref_slice %arg8[%dma_wait3A_559] : memref<13312xi32, #tpu.memory_space<vmem>> -> memref<512xi32, #tpu.memory_space<vmem>>
    %dma_wait3A_561 = tpu.memref_slice %arg2[%dma_wait3A_554, %mul3A_2] : memref<26x16384xi32, #tpu.memory_space<hbm>> -> memref<1x512xi32, #tpu.memory_space<hbm>>
    %dma_wait3A_562 = tpu.memref_squeeze %dma_wait3A_561 : memref<1x512xi32, #tpu.memory_space<hbm>> -> memref<512xi32, #tpu.memory_space<hbm>>
    tpu.wait_dma2 semaphore(%arg11 : memref<!tpu.dma_semaphore, #tpu.memory_space<semaphore_mem>>) src(%dma_wait3A_562 : memref<512xi32, #tpu.memory_space<hbm>>) dst(%dma_wait3A_560 : memref<512xi32, #tpu.memory_space<vmem>>)
    %dma_wait3A_563 = arith.constant 20 : i32
    %dma_wait3A_564 = arith.constant 10240 : i32
    %dma_wait3A_565 = tpu.memref_slice %arg8[%dma_wait3A_564] : memref<13312xi32, #tpu.memory_space<vmem>> -> memref<512xi32, #tpu.memory_space<vmem>>
    %dma_wait3A_566 = tpu.memref_slice %arg2[%dma_wait3A_563, %mul3A_2] : memref<26x16384xi32, #tpu.memory_space<hbm>> -> memref<1x512xi32, #tpu.memory_space<hbm>>
    %dma_wait3A_567 = tpu.memref_squeeze %dma_wait3A_566 : memref<1x512xi32, #tpu.memory_space<hbm>> -> memref<512xi32, #tpu.memory_space<hbm>>
    %dma_wait3A_568 = arith.constant 10240 : i32
    %dma_wait3A_569 = tpu.memref_slice %arg8[%dma_wait3A_568] : memref<13312xi32, #tpu.memory_space<vmem>> -> memref<512xi32, #tpu.memory_space<vmem>>
    %dma_wait3A_570 = tpu.memref_slice %arg2[%dma_wait3A_563, %mul3A_2] : memref<26x16384xi32, #tpu.memory_space<hbm>> -> memref<1x512xi32, #tpu.memory_space<hbm>>
    %dma_wait3A_571 = tpu.memref_squeeze %dma_wait3A_570 : memref<1x512xi32, #tpu.memory_space<hbm>> -> memref<512xi32, #tpu.memory_space<hbm>>
    tpu.wait_dma2 semaphore(%arg11 : memref<!tpu.dma_semaphore, #tpu.memory_space<semaphore_mem>>) src(%dma_wait3A_571 : memref<512xi32, #tpu.memory_space<hbm>>) dst(%dma_wait3A_569 : memref<512xi32, #tpu.memory_space<vmem>>)
    %dma_wait3A_572 = arith.constant 21 : i32
    %dma_wait3A_573 = arith.constant 10752 : i32
    %dma_wait3A_574 = tpu.memref_slice %arg8[%dma_wait3A_573] : memref<13312xi32, #tpu.memory_space<vmem>> -> memref<512xi32, #tpu.memory_space<vmem>>
    %dma_wait3A_575 = tpu.memref_slice %arg2[%dma_wait3A_572, %mul3A_2] : memref<26x16384xi32, #tpu.memory_space<hbm>> -> memref<1x512xi32, #tpu.memory_space<hbm>>
    %dma_wait3A_576 = tpu.memref_squeeze %dma_wait3A_575 : memref<1x512xi32, #tpu.memory_space<hbm>> -> memref<512xi32, #tpu.memory_space<hbm>>
    %dma_wait3A_577 = arith.constant 10752 : i32
    %dma_wait3A_578 = tpu.memref_slice %arg8[%dma_wait3A_577] : memref<13312xi32, #tpu.memory_space<vmem>> -> memref<512xi32, #tpu.memory_space<vmem>>
    %dma_wait3A_579 = tpu.memref_slice %arg2[%dma_wait3A_572, %mul3A_2] : memref<26x16384xi32, #tpu.memory_space<hbm>> -> memref<1x512xi32, #tpu.memory_space<hbm>>
    %dma_wait3A_580 = tpu.memref_squeeze %dma_wait3A_579 : memref<1x512xi32, #tpu.memory_space<hbm>> -> memref<512xi32, #tpu.memory_space<hbm>>
    tpu.wait_dma2 semaphore(%arg11 : memref<!tpu.dma_semaphore, #tpu.memory_space<semaphore_mem>>) src(%dma_wait3A_580 : memref<512xi32, #tpu.memory_space<hbm>>) dst(%dma_wait3A_578 : memref<512xi32, #tpu.memory_space<vmem>>)
    %dma_wait3A_581 = arith.constant 22 : i32
    %dma_wait3A_582 = arith.constant 11264 : i32
    %dma_wait3A_583 = tpu.memref_slice %arg8[%dma_wait3A_582] : memref<13312xi32, #tpu.memory_space<vmem>> -> memref<512xi32, #tpu.memory_space<vmem>>
    %dma_wait3A_584 = tpu.memref_slice %arg2[%dma_wait3A_581, %mul3A_2] : memref<26x16384xi32, #tpu.memory_space<hbm>> -> memref<1x512xi32, #tpu.memory_space<hbm>>
    %dma_wait3A_585 = tpu.memref_squeeze %dma_wait3A_584 : memref<1x512xi32, #tpu.memory_space<hbm>> -> memref<512xi32, #tpu.memory_space<hbm>>
    %dma_wait3A_586 = arith.constant 11264 : i32
    %dma_wait3A_587 = tpu.memref_slice %arg8[%dma_wait3A_586] : memref<13312xi32, #tpu.memory_space<vmem>> -> memref<512xi32, #tpu.memory_space<vmem>>
    %dma_wait3A_588 = tpu.memref_slice %arg2[%dma_wait3A_581, %mul3A_2] : memref<26x16384xi32, #tpu.memory_space<hbm>> -> memref<1x512xi32, #tpu.memory_space<hbm>>
    %dma_wait3A_589 = tpu.memref_squeeze %dma_wait3A_588 : memref<1x512xi32, #tpu.memory_space<hbm>> -> memref<512xi32, #tpu.memory_space<hbm>>
    tpu.wait_dma2 semaphore(%arg11 : memref<!tpu.dma_semaphore, #tpu.memory_space<semaphore_mem>>) src(%dma_wait3A_589 : memref<512xi32, #tpu.memory_space<hbm>>) dst(%dma_wait3A_587 : memref<512xi32, #tpu.memory_space<vmem>>)
    %dma_wait3A_590 = arith.constant 23 : i32
    %dma_wait3A_591 = arith.constant 11776 : i32
    %dma_wait3A_592 = tpu.memref_slice %arg8[%dma_wait3A_591] : memref<13312xi32, #tpu.memory_space<vmem>> -> memref<512xi32, #tpu.memory_space<vmem>>
    %dma_wait3A_593 = tpu.memref_slice %arg2[%dma_wait3A_590, %mul3A_2] : memref<26x16384xi32, #tpu.memory_space<hbm>> -> memref<1x512xi32, #tpu.memory_space<hbm>>
    %dma_wait3A_594 = tpu.memref_squeeze %dma_wait3A_593 : memref<1x512xi32, #tpu.memory_space<hbm>> -> memref<512xi32, #tpu.memory_space<hbm>>
    %dma_wait3A_595 = arith.constant 11776 : i32
    %dma_wait3A_596 = tpu.memref_slice %arg8[%dma_wait3A_595] : memref<13312xi32, #tpu.memory_space<vmem>> -> memref<512xi32, #tpu.memory_space<vmem>>
    %dma_wait3A_597 = tpu.memref_slice %arg2[%dma_wait3A_590, %mul3A_2] : memref<26x16384xi32, #tpu.memory_space<hbm>> -> memref<1x512xi32, #tpu.memory_space<hbm>>
    %dma_wait3A_598 = tpu.memref_squeeze %dma_wait3A_597 : memref<1x512xi32, #tpu.memory_space<hbm>> -> memref<512xi32, #tpu.memory_space<hbm>>
    tpu.wait_dma2 semaphore(%arg11 : memref<!tpu.dma_semaphore, #tpu.memory_space<semaphore_mem>>) src(%dma_wait3A_598 : memref<512xi32, #tpu.memory_space<hbm>>) dst(%dma_wait3A_596 : memref<512xi32, #tpu.memory_space<vmem>>)
    %dma_wait3A_599 = arith.constant 24 : i32
    %dma_wait3A_600 = arith.constant 12288 : i32
    %dma_wait3A_601 = tpu.memref_slice %arg8[%dma_wait3A_600] : memref<13312xi32, #tpu.memory_space<vmem>> -> memref<512xi32, #tpu.memory_space<vmem>>
    %dma_wait3A_602 = tpu.memref_slice %arg2[%dma_wait3A_599, %mul3A_2] : memref<26x16384xi32, #tpu.memory_space<hbm>> -> memref<1x512xi32, #tpu.memory_space<hbm>>
    %dma_wait3A_603 = tpu.memref_squeeze %dma_wait3A_602 : memref<1x512xi32, #tpu.memory_space<hbm>> -> memref<512xi32, #tpu.memory_space<hbm>>
    %dma_wait3A_604 = arith.constant 12288 : i32
    %dma_wait3A_605 = tpu.memref_slice %arg8[%dma_wait3A_604] : memref<13312xi32, #tpu.memory_space<vmem>> -> memref<512xi32, #tpu.memory_space<vmem>>
    %dma_wait3A_606 = tpu.memref_slice %arg2[%dma_wait3A_599, %mul3A_2] : memref<26x16384xi32, #tpu.memory_space<hbm>> -> memref<1x512xi32, #tpu.memory_space<hbm>>
    %dma_wait3A_607 = tpu.memref_squeeze %dma_wait3A_606 : memref<1x512xi32, #tpu.memory_space<hbm>> -> memref<512xi32, #tpu.memory_space<hbm>>
    tpu.wait_dma2 semaphore(%arg11 : memref<!tpu.dma_semaphore, #tpu.memory_space<semaphore_mem>>) src(%dma_wait3A_607 : memref<512xi32, #tpu.memory_space<hbm>>) dst(%dma_wait3A_605 : memref<512xi32, #tpu.memory_space<vmem>>)
    %dma_wait3A_608 = arith.constant 25 : i32
    %dma_wait3A_609 = arith.constant 12800 : i32
    %dma_wait3A_610 = tpu.memref_slice %arg8[%dma_wait3A_609] : memref<13312xi32, #tpu.memory_space<vmem>> -> memref<512xi32, #tpu.memory_space<vmem>>
    %dma_wait3A_611 = tpu.memref_slice %arg2[%dma_wait3A_608, %mul3A_2] : memref<26x16384xi32, #tpu.memory_space<hbm>> -> memref<1x512xi32, #tpu.memory_space<hbm>>
    %dma_wait3A_612 = tpu.memref_squeeze %dma_wait3A_611 : memref<1x512xi32, #tpu.memory_space<hbm>> -> memref<512xi32, #tpu.memory_space<hbm>>
    %dma_wait3A_613 = arith.constant 12800 : i32
    %dma_wait3A_614 = tpu.memref_slice %arg8[%dma_wait3A_613] : memref<13312xi32, #tpu.memory_space<vmem>> -> memref<512xi32, #tpu.memory_space<vmem>>
    %dma_wait3A_615 = tpu.memref_slice %arg2[%dma_wait3A_608, %mul3A_2] : memref<26x16384xi32, #tpu.memory_space<hbm>> -> memref<1x512xi32, #tpu.memory_space<hbm>>
    %dma_wait3A_616 = tpu.memref_squeeze %dma_wait3A_615 : memref<1x512xi32, #tpu.memory_space<hbm>> -> memref<512xi32, #tpu.memory_space<hbm>>
    tpu.wait_dma2 semaphore(%arg11 : memref<!tpu.dma_semaphore, #tpu.memory_space<semaphore_mem>>) src(%dma_wait3A_616 : memref<512xi32, #tpu.memory_space<hbm>>) dst(%dma_wait3A_614 : memref<512xi32, #tpu.memory_space<vmem>>)
    %dma_start3A_617 = arith.constant 0 : i32
    %dma_start3A_618 = tpu.memref_slice %arg9[%dma_start3A_617] : memref<13312xf32, #tpu.memory_space<vmem>> -> memref<6656xf32, #tpu.memory_space<vmem>>
    %dma_start3A_619 = arith.constant 0 : i32
    %dma_start3A_620 = tpu.memref_slice %arg8[%dma_start3A_619] : memref<13312xi32, #tpu.memory_space<vmem>> -> memref<6656xi32, #tpu.memory_space<vmem>>
    %dma_start3A_621 = arith.constant 0 : i32
    %dma_start3A_622 = tpu.memref_slice %arg5[%dma_start3A_621] : memref<1000000xf32, #tpu.memory_space<vmem_shared>> -> memref<1000000xf32, #tpu.memory_space<vmem_shared>>
    tpu.enqueue_indirect_dma source(%dma_start3A_622 : memref<1000000xf32, #tpu.memory_space<vmem_shared>>) target(%dma_start3A_618 : memref<6656xf32, #tpu.memory_space<vmem>>) offsets(%dma_start3A_620 : memref<6656xi32, #tpu.memory_space<vmem>>) semaphore(%arg11 : memref<!tpu.dma_semaphore, #tpu.memory_space<semaphore_mem>>)
    %dma_wait3A_623 = arith.constant 0 : i32
    %dma_wait3A_624 = tpu.memref_slice %arg9[%dma_wait3A_623] : memref<13312xf32, #tpu.memory_space<vmem>> -> memref<6656xf32, #tpu.memory_space<vmem>>
    %dma_wait3A_625 = arith.constant 0 : i32
    %dma_wait3A_626 = tpu.memref_slice %arg8[%dma_wait3A_625] : memref<13312xi32, #tpu.memory_space<vmem>> -> memref<6656xi32, #tpu.memory_space<vmem>>
    %dma_wait3A_627 = arith.constant 0 : i32
    %dma_wait3A_628 = tpu.memref_slice %arg5[%dma_wait3A_627] : memref<1000000xf32, #tpu.memory_space<vmem_shared>> -> memref<1000000xf32, #tpu.memory_space<vmem_shared>>
    tpu.wait_indirect_dma semaphore(%arg11 : memref<!tpu.dma_semaphore, #tpu.memory_space<semaphore_mem>>) src(%dma_wait3A_628 : memref<1000000xf32, #tpu.memory_space<vmem_shared>>) dst(%dma_wait3A_624 : memref<6656xf32, #tpu.memory_space<vmem>>)
    %dma_start3A_629 = arith.constant 6656 : i32
    %dma_start3A_630 = tpu.memref_slice %arg9[%dma_start3A_629] : memref<13312xf32, #tpu.memory_space<vmem>> -> memref<6656xf32, #tpu.memory_space<vmem>>
    %dma_start3A_631 = arith.constant 6656 : i32
    %dma_start3A_632 = tpu.memref_slice %arg8[%dma_start3A_631] : memref<13312xi32, #tpu.memory_space<vmem>> -> memref<6656xi32, #tpu.memory_space<vmem>>
    %dma_start3A_633 = arith.constant 0 : i32
    %dma_start3A_634 = tpu.memref_slice %arg5[%dma_start3A_633] : memref<1000000xf32, #tpu.memory_space<vmem_shared>> -> memref<1000000xf32, #tpu.memory_space<vmem_shared>>
    tpu.enqueue_indirect_dma source(%dma_start3A_634 : memref<1000000xf32, #tpu.memory_space<vmem_shared>>) target(%dma_start3A_630 : memref<6656xf32, #tpu.memory_space<vmem>>) offsets(%dma_start3A_632 : memref<6656xi32, #tpu.memory_space<vmem>>) semaphore(%arg16 : memref<!tpu.dma_semaphore, #tpu.memory_space<semaphore_mem>>)
    %scan3A = arith.constant 0 : i32
    %scan3A_635 = arith.constant 0 : i32
    %scan3A_636 = arith.constant 32 : i32
    %scan3A_637 = arith.addi %scan3A_635, %scan3A_636 : i32
    %scan3A_638 = arith.constant 1 : i32
    scf.for %scan3A_652 = %scan3A_635 to %scan3A_637 step %scan3A_638  : i32 {
      %mul3A_653 = arith.constant 16 : i32
      %mul3A_654 = arith.muli %scan3A_652, %mul3A_653 : i32
      %get3A = arith.index_cast %mul3A_654 : i32 to index
      %get3A_655 = tpu.vector_load %arg9[%get3A] {strides = array<i32>} : memref<13312xf32, #tpu.memory_space<vmem>>, vector<16xf32>,
      %add3A_656 = arith.constant 512 : i32
      %add3A_657 = arith.addi %add3A_656, %mul3A_654 : i32
      %get3A_658 = arith.index_cast %add3A_657 : i32 to index
      %get3A_659 = tpu.vector_load %arg9[%get3A_658] {strides = array<i32>} : memref<13312xf32, #tpu.memory_space<vmem>>, vector<16xf32>,
      %add3A_660 = arith.addf %get3A_655, %get3A_659 : vector<16xf32>
      %add3A_661 = arith.constant 1024 : i32
      %add3A_662 = arith.addi %add3A_661, %mul3A_654 : i32
      %get3A_663 = arith.index_cast %add3A_662 : i32 to index
      %get3A_664 = tpu.vector_load %arg9[%get3A_663] {strides = array<i32>} : memref<13312xf32, #tpu.memory_space<vmem>>, vector<16xf32>,
      %add3A_665 = arith.addf %add3A_660, %get3A_664 : vector<16xf32>
      %add3A_666 = arith.constant 1536 : i32
      %add3A_667 = arith.addi %add3A_666, %mul3A_654 : i32
      %get3A_668 = arith.index_cast %add3A_667 : i32 to index
      %get3A_669 = tpu.vector_load %arg9[%get3A_668] {strides = array<i32>} : memref<13312xf32, #tpu.memory_space<vmem>>, vector<16xf32>,
      %add3A_670 = arith.addf %add3A_665, %get3A_669 : vector<16xf32>
      %add3A_671 = arith.constant 2048 : i32
      %add3A_672 = arith.addi %add3A_671, %mul3A_654 : i32
      %get3A_673 = arith.index_cast %add3A_672 : i32 to index
      %get3A_674 = tpu.vector_load %arg9[%get3A_673] {strides = array<i32>} : memref<13312xf32, #tpu.memory_space<vmem>>, vector<16xf32>,
      %add3A_675 = arith.addf %add3A_670, %get3A_674 : vector<16xf32>
      %add3A_676 = arith.constant 2560 : i32
      %add3A_677 = arith.addi %add3A_676, %mul3A_654 : i32
      %get3A_678 = arith.index_cast %add3A_677 : i32 to index
      %get3A_679 = tpu.vector_load %arg9[%get3A_678] {strides = array<i32>} : memref<13312xf32, #tpu.memory_space<vmem>>, vector<16xf32>,
      %add3A_680 = arith.addf %add3A_675, %get3A_679 : vector<16xf32>
      %add3A_681 = arith.constant 3072 : i32
      %add3A_682 = arith.addi %add3A_681, %mul3A_654 : i32
      %get3A_683 = arith.index_cast %add3A_682 : i32 to index
      %get3A_684 = tpu.vector_load %arg9[%get3A_683] {strides = array<i32>} : memref<13312xf32, #tpu.memory_space<vmem>>, vector<16xf32>,
      %add3A_685 = arith.addf %add3A_680, %get3A_684 : vector<16xf32>
      %add3A_686 = arith.constant 3584 : i32
      %add3A_687 = arith.addi %add3A_686, %mul3A_654 : i32
      %get3A_688 = arith.index_cast %add3A_687 : i32 to index
      %get3A_689 = tpu.vector_load %arg9[%get3A_688] {strides = array<i32>} : memref<13312xf32, #tpu.memory_space<vmem>>, vector<16xf32>,
      %add3A_690 = arith.addf %add3A_685, %get3A_689 : vector<16xf32>
      %add3A_691 = arith.constant 4096 : i32
      %add3A_692 = arith.addi %add3A_691, %mul3A_654 : i32
      %get3A_693 = arith.index_cast %add3A_692 : i32 to index
      %get3A_694 = tpu.vector_load %arg9[%get3A_693] {strides = array<i32>} : memref<13312xf32, #tpu.memory_space<vmem>>, vector<16xf32>,
      %add3A_695 = arith.addf %add3A_690, %get3A_694 : vector<16xf32>
      %add3A_696 = arith.constant 4608 : i32
      %add3A_697 = arith.addi %add3A_696, %mul3A_654 : i32
      %get3A_698 = arith.index_cast %add3A_697 : i32 to index
      %get3A_699 = tpu.vector_load %arg9[%get3A_698] {strides = array<i32>} : memref<13312xf32, #tpu.memory_space<vmem>>, vector<16xf32>,
      %add3A_700 = arith.addf %add3A_695, %get3A_699 : vector<16xf32>
      %add3A_701 = arith.constant 5120 : i32
      %add3A_702 = arith.addi %add3A_701, %mul3A_654 : i32
      %get3A_703 = arith.index_cast %add3A_702 : i32 to index
      %get3A_704 = tpu.vector_load %arg9[%get3A_703] {strides = array<i32>} : memref<13312xf32, #tpu.memory_space<vmem>>, vector<16xf32>,
      %add3A_705 = arith.addf %add3A_700, %get3A_704 : vector<16xf32>
      %add3A_706 = arith.constant 5632 : i32
      %add3A_707 = arith.addi %add3A_706, %mul3A_654 : i32
      %get3A_708 = arith.index_cast %add3A_707 : i32 to index
      %get3A_709 = tpu.vector_load %arg9[%get3A_708] {strides = array<i32>} : memref<13312xf32, #tpu.memory_space<vmem>>, vector<16xf32>,
      %add3A_710 = arith.addf %add3A_705, %get3A_709 : vector<16xf32>
      %add3A_711 = arith.constant 6144 : i32
      %add3A_712 = arith.addi %add3A_711, %mul3A_654 : i32
      %get3A_713 = arith.index_cast %add3A_712 : i32 to index
      %get3A_714 = tpu.vector_load %arg9[%get3A_713] {strides = array<i32>} : memref<13312xf32, #tpu.memory_space<vmem>>, vector<16xf32>,
      %add3A_715 = arith.addf %add3A_710, %get3A_714 : vector<16xf32>
      %swap3A = arith.index_cast %mul3A_654 : i32 to index
      %swap3A_716 = tpu.vector_load %arg10[%swap3A] {strides = array<i32>} : memref<512xf32, #tpu.memory_space<vmem>>, vector<16xf32>,
      tpu.vector_store %arg10[%swap3A], %add3A_715 {strides = array<i32>} : memref<512xf32, #tpu.memory_space<vmem>>, vector<16xf32>,
    }
    %scan3A_639 = arith.constant 32 : i32
    %dma_wait3A_640 = arith.constant 6656 : i32
    %dma_wait3A_641 = tpu.memref_slice %arg9[%dma_wait3A_640] : memref<13312xf32, #tpu.memory_space<vmem>> -> memref<6656xf32, #tpu.memory_space<vmem>>
    %dma_wait3A_642 = arith.constant 6656 : i32
    %dma_wait3A_643 = tpu.memref_slice %arg8[%dma_wait3A_642] : memref<13312xi32, #tpu.memory_space<vmem>> -> memref<6656xi32, #tpu.memory_space<vmem>>
    %dma_wait3A_644 = arith.constant 0 : i32
    %dma_wait3A_645 = tpu.memref_slice %arg5[%dma_wait3A_644] : memref<1000000xf32, #tpu.memory_space<vmem_shared>> -> memref<1000000xf32, #tpu.memory_space<vmem_shared>>
    tpu.wait_indirect_dma semaphore(%arg16 : memref<!tpu.dma_semaphore, #tpu.memory_space<semaphore_mem>>) src(%dma_wait3A_645 : memref<1000000xf32, #tpu.memory_space<vmem_shared>>) dst(%dma_wait3A_641 : memref<6656xf32, #tpu.memory_space<vmem>>)
    %scan3A_646 = arith.constant 0 : i32
    %scan3A_647 = arith.constant 0 : i32
    %scan3A_648 = arith.constant 32 : i32
    %scan3A_649 = arith.addi %scan3A_647, %scan3A_648 : i32
    %scan3A_650 = arith.constant 1 : i32
    scf.for %scan3A_652 = %scan3A_647 to %scan3A_649 step %scan3A_650  : i32 {
      %mul3A_653 = arith.constant 16 : i32
      %mul3A_654 = arith.muli %scan3A_652, %mul3A_653 : i32
      %get3A = arith.index_cast %mul3A_654 : i32 to index
      %get3A_655 = tpu.vector_load %arg10[%get3A] {strides = array<i32>} : memref<512xf32, #tpu.memory_space<vmem>>, vector<16xf32>,
      %add3A_656 = arith.constant 6656 : i32
      %add3A_657 = arith.addi %add3A_656, %mul3A_654 : i32
      %get3A_658 = arith.index_cast %add3A_657 : i32 to index
      %get3A_659 = tpu.vector_load %arg9[%get3A_658] {strides = array<i32>} : memref<13312xf32, #tpu.memory_space<vmem>>, vector<16xf32>,
      %add3A_660 = arith.addf %get3A_655, %get3A_659 : vector<16xf32>
      %add3A_661 = arith.constant 7168 : i32
      %add3A_662 = arith.addi %add3A_661, %mul3A_654 : i32
      %get3A_663 = arith.index_cast %add3A_662 : i32 to index
      %get3A_664 = tpu.vector_load %arg9[%get3A_663] {strides = array<i32>} : memref<13312xf32, #tpu.memory_space<vmem>>, vector<16xf32>,
      %add3A_665 = arith.addf %add3A_660, %get3A_664 : vector<16xf32>
      %add3A_666 = arith.constant 7680 : i32
      %add3A_667 = arith.addi %add3A_666, %mul3A_654 : i32
      %get3A_668 = arith.index_cast %add3A_667 : i32 to index
      %get3A_669 = tpu.vector_load %arg9[%get3A_668] {strides = array<i32>} : memref<13312xf32, #tpu.memory_space<vmem>>, vector<16xf32>,
      %add3A_670 = arith.addf %add3A_665, %get3A_669 : vector<16xf32>
      %add3A_671 = arith.constant 8192 : i32
      %add3A_672 = arith.addi %add3A_671, %mul3A_654 : i32
      %get3A_673 = arith.index_cast %add3A_672 : i32 to index
      %get3A_674 = tpu.vector_load %arg9[%get3A_673] {strides = array<i32>} : memref<13312xf32, #tpu.memory_space<vmem>>, vector<16xf32>,
      %add3A_675 = arith.addf %add3A_670, %get3A_674 : vector<16xf32>
      %add3A_676 = arith.constant 8704 : i32
      %add3A_677 = arith.addi %add3A_676, %mul3A_654 : i32
      %get3A_678 = arith.index_cast %add3A_677 : i32 to index
      %get3A_679 = tpu.vector_load %arg9[%get3A_678] {strides = array<i32>} : memref<13312xf32, #tpu.memory_space<vmem>>, vector<16xf32>,
      %add3A_680 = arith.addf %add3A_675, %get3A_679 : vector<16xf32>
      %add3A_681 = arith.constant 9216 : i32
      %add3A_682 = arith.addi %add3A_681, %mul3A_654 : i32
      %get3A_683 = arith.index_cast %add3A_682 : i32 to index
      %get3A_684 = tpu.vector_load %arg9[%get3A_683] {strides = array<i32>} : memref<13312xf32, #tpu.memory_space<vmem>>, vector<16xf32>,
      %add3A_685 = arith.addf %add3A_680, %get3A_684 : vector<16xf32>
      %add3A_686 = arith.constant 9728 : i32
      %add3A_687 = arith.addi %add3A_686, %mul3A_654 : i32
      %get3A_688 = arith.index_cast %add3A_687 : i32 to index
      %get3A_689 = tpu.vector_load %arg9[%get3A_688] {strides = array<i32>} : memref<13312xf32, #tpu.memory_space<vmem>>, vector<16xf32>,
      %add3A_690 = arith.addf %add3A_685, %get3A_689 : vector<16xf32>
      %add3A_691 = arith.constant 10240 : i32
      %add3A_692 = arith.addi %add3A_691, %mul3A_654 : i32
      %get3A_693 = arith.index_cast %add3A_692 : i32 to index
      %get3A_694 = tpu.vector_load %arg9[%get3A_693] {strides = array<i32>} : memref<13312xf32, #tpu.memory_space<vmem>>, vector<16xf32>,
      %add3A_695 = arith.addf %add3A_690, %get3A_694 : vector<16xf32>
      %add3A_696 = arith.constant 10752 : i32
      %add3A_697 = arith.addi %add3A_696, %mul3A_654 : i32
      %get3A_698 = arith.index_cast %add3A_697 : i32 to index
      %get3A_699 = tpu.vector_load %arg9[%get3A_698] {strides = array<i32>} : memref<13312xf32, #tpu.memory_space<vmem>>, vector<16xf32>,
      %add3A_700 = arith.addf %add3A_695, %get3A_699 : vector<16xf32>
      %add3A_701 = arith.constant 11264 : i32
      %add3A_702 = arith.addi %add3A_701, %mul3A_654 : i32
      %get3A_703 = arith.index_cast %add3A_702 : i32 to index
      %get3A_704 = tpu.vector_load %arg9[%get3A_703] {strides = array<i32>} : memref<13312xf32, #tpu.memory_space<vmem>>, vector<16xf32>,
      %add3A_705 = arith.addf %add3A_700, %get3A_704 : vector<16xf32>
      %add3A_706 = arith.constant 11776 : i32
      %add3A_707 = arith.addi %add3A_706, %mul3A_654 : i32
      %get3A_708 = arith.index_cast %add3A_707 : i32 to index
      %get3A_709 = tpu.vector_load %arg9[%get3A_708] {strides = array<i32>} : memref<13312xf32, #tpu.memory_space<vmem>>, vector<16xf32>,
      %add3A_710 = arith.addf %add3A_705, %get3A_709 : vector<16xf32>
      %add3A_711 = arith.constant 12288 : i32
      %add3A_712 = arith.addi %add3A_711, %mul3A_654 : i32
      %get3A_713 = arith.index_cast %add3A_712 : i32 to index
      %get3A_714 = tpu.vector_load %arg9[%get3A_713] {strides = array<i32>} : memref<13312xf32, #tpu.memory_space<vmem>>, vector<16xf32>,
      %add3A_715 = arith.addf %add3A_710, %get3A_714 : vector<16xf32>
      %add3A_716 = arith.constant 12800 : i32
      %add3A_717 = arith.addi %add3A_716, %mul3A_654 : i32
      %get3A_718 = arith.index_cast %add3A_717 : i32 to index
      %get3A_719 = tpu.vector_load %arg9[%get3A_718] {strides = array<i32>} : memref<13312xf32, #tpu.memory_space<vmem>>, vector<16xf32>,
      %add3A_720 = arith.addf %add3A_715, %get3A_719 : vector<16xf32>
      %swap3A = arith.index_cast %mul3A_654 : i32 to index
      %swap3A_721 = tpu.vector_load %arg10[%swap3A] {strides = array<i32>} : memref<512xf32, #tpu.memory_space<vmem>>, vector<16xf32>,
      tpu.vector_store %arg10[%swap3A], %add3A_720 {strides = array<i32>} : memref<512xf32, #tpu.memory_space<vmem>>, vector<16xf32>,
    }
    %scan3A_651 = arith.constant 32 : i32
    %run_scoped3A = arith.constant 0 : i32
    "tpu.region"() ({
      %run_scoped3A_652 = tpu.sem_alloc : memref<!tpu.dma_semaphore, #tpu.memory_space<semaphore_mem>>
      %dma_start3A_653 = tpu.memref_slice %arg4[%run_scoped3A, %mul3A_2] : memref<1x16384xf32, #tpu.memory_space<hbm>> -> memref<1x512xf32, #tpu.memory_space<hbm>>
      %dma_start3A_654 = tpu.memref_squeeze %dma_start3A_653 : memref<1x512xf32, #tpu.memory_space<hbm>> -> memref<512xf32, #tpu.memory_space<hbm>>
      %dma_start3A_655 = tpu.memref_slice %arg4[%run_scoped3A, %mul3A_2] : memref<1x16384xf32, #tpu.memory_space<hbm>> -> memref<1x512xf32, #tpu.memory_space<hbm>>
      %dma_start3A_656 = tpu.memref_squeeze %dma_start3A_655 : memref<1x512xf32, #tpu.memory_space<hbm>> -> memref<512xf32, #tpu.memory_space<hbm>>
      tpu.enqueue_dma source(%arg10 : memref<512xf32, #tpu.memory_space<vmem>>) target(%dma_start3A_656 : memref<512xf32, #tpu.memory_space<hbm>>) target_semaphore(%run_scoped3A_652 : memref<!tpu.dma_semaphore, #tpu.memory_space<semaphore_mem>>)
      %dma_wait3A_657 = tpu.memref_slice %arg4[%run_scoped3A, %mul3A_2] : memref<1x16384xf32, #tpu.memory_space<hbm>> -> memref<1x512xf32, #tpu.memory_space<hbm>>
      %dma_wait3A_658 = tpu.memref_squeeze %dma_wait3A_657 : memref<1x512xf32, #tpu.memory_space<hbm>> -> memref<512xf32, #tpu.memory_space<hbm>>
      %dma_wait3A_659 = tpu.memref_slice %arg4[%run_scoped3A, %mul3A_2] : memref<1x16384xf32, #tpu.memory_space<hbm>> -> memref<1x512xf32, #tpu.memory_space<hbm>>
      %dma_wait3A_660 = tpu.memref_squeeze %dma_wait3A_659 : memref<1x512xf32, #tpu.memory_space<hbm>> -> memref<512xf32, #tpu.memory_space<hbm>>
      tpu.wait_dma2 semaphore(%run_scoped3A_652 : memref<!tpu.dma_semaphore, #tpu.memory_space<semaphore_mem>>) src(%arg10 : memref<512xf32, #tpu.memory_space<vmem>>) dst(%dma_wait3A_660 : memref<512xf32, #tpu.memory_space<hbm>>)
      tpu.yield
    }) : () -> ()
    return
  }
}

</mosaic_0001>

<sc_bundles>
// kernel: kernel.3.cloned.1.call-start
scs
__scs_entry_jumppad:
0x0: {  	(pc) =	sbr.rel $0x88, $3  }
0x1: {  	(tag) =	ssettag $0x0;
	lr =	simm.s32 $0x1  }
0x2: {  	[smem:$0x3F9F] =	sst lr;
	_ =	strace $0xD0000000  }
0x3: {  	_ = 	snop  }
0x4: {  	_ = 	snop  }
0x5: {  	_ = 	snop  }
0x6: {  	_ = 	snop  }
0x7: {  	_ = 	snop  }
__scs_overlays_trampoline_lowered:
0x8: {  	[smem:$0x3FAE] =	sst s0  }
0x9: {  	[smem:$0x3FAF] =	sst s1  }
0xa: {  	[smem:$0x3FB0] =	sst s2  }
0xb: {  	[smem:$0x3FB1] =	sst s3  }
0xc: {  	[smem:$0x3FB2] =	sst s4  }
0xd: {  	[smem:$0x3FB3] =	sst s5  }
0xe: {  	[smem:$0x3FB4] =	sst s6  }
0xf: {  	[smem:$0x3FB5] =	sst s7  }
0x10: {  	[smem:$0x3FB6] =	sst s8  }
0x11: {  	[smem:$0x3FB7] =	sst s9;
	s0 =	simm.s32 @!p0 $0x0  }
0x12: {  	s1 =	sld [smem:$0x3F9D];
	s0 =	simm.s32 @p0 $0x1  }
0x13: {  	[smem:$0x3FB8] =	sst s0;
	s0 =	simm.s32 @!p1 $0x0  }
0x14: {  	s2 =	sld [smem:$0x3F9C];
	s0 =	simm.s32 @p1 $0x1  }
0x15: {  	[smem:$0x3FB9] =	sst s0;
	s0 =	simm.s32 @!p2 $0x0  }
0x16: {  	s3 =	sld [smem:$0x3FDB];
	s0 =	simm.s32 @p2 $0x1  }
0x17: {  	s4 =	simm.s32 $0x1BF5;
	[smem:$0x3FBB] =	sst s0  }
0x18: {  	s0 =	sld [smem:$0x3F9E];
	_ =	swait.ge [sflag:s4], $0x0  }
0x19: {  	s7 =	sld [smem:$0x3F9F]  }
0x1a: {  	s8 =	sadd.s32 $0xFFFFE003, lr  }
0x1b: {  	s9 =	sadd.s32 $0xFFFFFEF7, lr;
	s5 =	simm.s32 $0xFFFFFFFF;
	p2 =	slt.u32 s8, $0xFFFFF086  }
0x1c: {  	p1 =	slt.u32 s9, $0xF7A;
	s5 =	simm.s32 @!p2 $0x0  }
0x1d: {  	s5 =	simm.s32 @p1 $0x1;
	p0 =	seq.s32 s7, s2  }
0x1e: {  	s7 =	smul.u32 @!p0 $0xF7A, s2;
	p2 =	seq.s32 @!p0 s5, $0x0  }
0x1f: {  	s9 =	smul.u32 $0xF7A, s1;
	s8 =	simm.s32 @!p0 $0x1BF5;
	p2 =	por !p2, p0  }
0x20: {  	[sflag:s8] =	ssyncset.s32 @!p0 $0xFFFFF086;
	s6 =	sadd.s32 @!p0 s3, s7;
	s7 =	simm.s32 @!p0 $0x108  }
0x21: {  	s3 =	sadd.s32 s3, s9;
	s6 =	sadd.s32 @!p0 $0x88, s6;
	s7 =	simm.s32 @p2 $0x1082  }
0x22: {  	[simem:s7], [sflag:s8] =	dma.local @!p0 [hbm:s6], $0xF7A  }
0x23: {  	s9 =	sor.u32 $0xD0000000, s2;
	s6 =	simm.s32 $0x108;
	_ =	swait.ge @!p0 [sflag:s8], $0x0  }
0x24: {  	s3 =	sadd.s32 $0x88, s3;
	s6 =	simm.s32 @!p1 $0x1082;
	[sflag:s4] =	ssyncset.s32 $0xFFFFF086  }
0x25: {  	[simem:s6], [sflag:s4] =	dma.local [hbm:s3], $0xF7A  }
0x26: {  	[smem:$0x3F9F] =	sst s1;
	(tag) =	ssettag s2;
	_ =	strace s9  }
0x27: {  	s1 =	sld [smem:$0x3FAF]  }
0x28: {  	s2 =	sld [smem:$0x3FB0]  }
0x29: {  	s4 =	sld [smem:$0x3FB2]  }
0x2a: {  	p0 =	seq.s32 s5, $0x0;
	s5 =	sld [smem:$0x3FB3]  }
0x2b: {  	s6 =	sld [smem:$0x3FB4]  }
0x2c: {  	s7 =	sld [smem:$0x3FB5]  }
0x2d: {  	s3 =	simm.s32 $0x108;
	s8 =	sld [smem:$0x3FB6]  }
0x2e: {  	s3 =	simm.s32 @!p0 $0x1082;
	s9 =	sld [smem:$0x3FB7]  }
0x2f: {  	lr =	sadd.s32 s0, s3;
	s0 =	sld [smem:$0x3FAE]  }
0x30: {  	s3 =	sld [smem:$0x3FB1]  }
0x31: {  	[smem:$0x3FBA] =	sst s10  }
0x32: {  	s10 =	sld [smem:$0x3FB8];
	_ =	sdelay $0x3  }
0x33: {  	p0 =	seq.s32 s10, $0x1;
	s10 =	sld [smem:$0x3FBA];
	_ =	sdelay $0x3  }
0x34: {  	[smem:$0x3FBA] =	sst s10  }
0x35: {  	s10 =	sld [smem:$0x3FB9];
	_ =	sdelay $0x3  }
0x36: {  	p1 =	seq.s32 s10, $0x1;
	s10 =	sld [smem:$0x3FBA];
	_ =	sdelay $0x3  }
0x37: {  	[smem:$0x3FBA] =	sst s10  }
0x38: {  	s10 =	sld [smem:$0x3FBB]  }
0x39: {  	_ = 	snop;
	(pc) =	sbr.ind lr, $3  }
0x3a: {  	_ = 	snop  }
0x3b: {  	_ = 	snop  }
0x3c: {  	p2 =	seq.s32 s10, $0x1;
	s10 =	sld [smem:$0x3FBA]  }
0x3d: {  	_ =	shalt  }
0x3e: {  	_ =	shalt  }
0x3f: {  	_ =	shalt  }
0x40: {  	_ =	shalt  }
0x41: {  	_ =	shalt  }
0x42: {  	_ =	shalt  }
0x43: {  	_ =	shalt  }
0x44: {  	_ =	shalt  }
0x45: {  	_ =	shalt  }
0x46: {  	_ =	shalt  }
0x47: {  	_ =	shalt  }
0x48: {  	_ =	shalt  }
0x49: {  	_ =	shalt  }
0x4a: {  	_ =	shalt  }
0x4b: {  	_ =	shalt  }
0x4c: {  	_ =	shalt  }
0x4d: {  	_ =	shalt  }
0x4e: {  	_ =	shalt  }
0x4f: {  	_ =	shalt  }
0x50: {  	_ =	shalt  }
0x51: {  	_ =	shalt  }
0x52: {  	_ =	shalt  }
0x53: {  	_ =	shalt  }
0x54: {  	_ =	shalt  }
0x55: {  	_ =	shalt  }
0x56: {  	_ =	shalt  }
0x57: {  	_ =	shalt  }
0x58: {  	_ =	shalt  }
0x59: {  	_ =	shalt  }
0x5a: {  	_ =	shalt  }
0x5b: {  	_ =	shalt  }
0x5c: {  	_ =	shalt  }
0x5d: {  	_ =	shalt  }
0x5e: {  	_ =	shalt  }
0x5f: {  	_ =	shalt  }
0x60: {  	_ =	shalt  }
0x61: {  	_ =	shalt  }
0x62: {  	_ =	shalt  }
0x63: {  	_ =	shalt  }
0x64: {  	_ =	shalt  }
0x65: {  	_ =	shalt  }
0x66: {  	_ =	shalt  }
0x67: {  	_ =	shalt  }
0x68: {  	_ =	shalt  }
0x69: {  	_ =	shalt  }
0x6a: {  	_ =	shalt  }
0x6b: {  	_ =	shalt  }
0x6c: {  	_ =	shalt  }
0x6d: {  	_ =	shalt  }
0x6e: {  	_ =	shalt  }
0x6f: {  	_ =	shalt  }
0x70: {  	_ =	shalt  }
0x71: {  	_ =	shalt  }
0x72: {  	_ =	shalt  }
0x73: {  	_ =	shalt  }
0x74: {  	_ =	shalt  }
0x75: {  	_ =	shalt  }
0x76: {  	_ =	shalt  }
0x77: {  	_ =	shalt  }
0x78: {  	_ =	shalt  }
0x79: {  	_ =	shalt  }
0x7a: {  	_ =	shalt  }
0x7b: {  	_ =	shalt  }
0x7c: {  	_ =	shalt  }
0x7d: {  	_ =	shalt  }
0x7e: {  	_ =	shalt  }
0x7f: {  	_ =	shalt  }
0x80: {  	_ =	shalt  }
0x81: {  	_ =	shalt  }
0x82: {  	_ =	shalt  }
0x83: {  	_ =	shalt  }
0x84: {  	_ =	shalt  }
0x85: {  	_ =	shalt  }
0x86: {  	_ =	shalt  }
0x87: {  	_ =	shalt  }
.Lfunc_end0:
.L_simem_size_0:
called_computation_lowered:
.L_overlay_start_0:
0x88: {  	s2 =	sld [smem:$0x3FD9]  }
0x89: {  	s3 =	sld [smem:$0x3FFE];
	_ =	sdelay $0x1  }
0x8a: {  	s1 =	srdreg.scid  }
0x8b: {  	s0 =	sand.u32 $0x1, s1  }
0x8c: {  	s18 =	sshll.u32 s0, $0xA;
	s2 =	sadd.s32 s3, s2  }
0x8d: {  	s2 =	sadd.s32 s2, s18  }
0x8e: {  	[smem:$0x3FC6] =	sst s2  }
0x8f: {  	_ = 	snop  }
0x90: {  	s2 =	sld [smem:$0x3FC9]  }
0x91: {  	s19 =	sld [smem:$0x3FC8]  }
0x92: {  	s4 =	sld [smem:$0x3FD0];
	(tm) =	ssettm $0x1  }
0x93: {  	s5 =	sld [smem:$0x3FFB];
	_ =	sdelay $0x3  }
0x94: {  	_ =	strace s5  }
0x95: {  	s5 =	sld [smem:$0x3FFC];
	_ =	sdelay $0x3  }
0x96: {  	_ =	strace s5  }
0x97: {  	s5 =	sld [smem:$0x3FFD];
	_ =	sdelay $0x3  }
0x98: {  	_ =	strace s5  }
0x99: {  	_ =	strace $0x8FFFFFFF  }
0x9a: {  	s20 =	sld [smem:$0x3FDB];
	_ =	sdelay $0x1  }
0x9b: {  	s6 =	simm.s32 $_scs_section_size  }
0x9c: {  	s7 =	simm.s32 $_size__tile_overlayer_lowered;
	s8 =	simm.s32 $_tile_overlayer_lowered  }
0x9d: {  	s23 =	simm.s32 $0x1BFF;
	s22 =	sshll.u32 s8, $0x1;
	s5 =	sadd.s32 s6, s20  }
0x9e: {  	s9 =	simm.s32 $0x0;
	s21 =	sshll.u32 s7, $0x1;
	s7 =	sadd.s32 s22, s5  }
0x9f: {  	[timem:s9], [sflag:s23] =	dma.local [hbm:s7], s21  }
0xa0: {  	_ =	swait.ge [sflag:s23], s21  }
0xa1: {  	s6 =	ssub.s32 $0x0, s21;
	[sflag:s23] =	ssyncset.done $0x0  }
0xa2: {  	[sflag:s23] =	ssyncadd.s32 s6;
	_ =	sdelay $0x1  }
0xa3: {  	s24 =	simm.s32 $0x1B8B  }
0xa4: {  	_ =	swait.ge [sflag:s24], $0x1  }
0xa5: {  	[sflag:s24] =	ssyncset.done $0x0  }
0xa6: {  	s25 =	simm.s32 $0x1B8E;
	[sflag:s24] =	ssyncadd.s32 $0xFFFFFFFF  }
0xa7: {  	s26 =	simm.s32 $execute0_lowered;
	[smem:$0x3FD2] =	sst s25  }
0xa8: {  	s6 =	sshll.u32 s26, $0x1;
	_ =	strace $0x80000046;
	[dreg:$0x1] =	wrdreg $0xFFFFFFFF  }
0xa9: {  	s28 =	simm.s32 $_size_execute0_lowered;
	s5 =	sadd.s32 s5, s6;
	[dreg:$0x0] =	wrdreg $0x0  }
0xaa: {  	s6 =	sshll.u32 s28, $0x1;
	[dreg:$0x2] =	wrdreg s5  }
0xab: {  	[dreg:$0x3] =	wrdreg s6  }
0xac: {  	[dreg:$0x4] =	wrdreg $0xC0  }
0xad: {  	_ =	task [dreg:s9], $0x5FFFF  }
0xae: {  	[dreg:$0x1] =	wrdreg $0xFFFFFFFF  }
0xaf: {  	[dreg:$0x0] =	wrdreg $0x60  }
0xb0: {  	[dreg:$0x2] =	wrdreg s2  }
0xb1: {  	[dreg:$0x3] =	wrdreg s19  }
0xb2: {  	[dreg:$0x4] =	wrdreg s4  }
0xb3: {  	[dreg:$0x5] =	wrdreg $0x0  }
0xb4: {  	[dreg:$0x6] =	wrdreg $0x9  }
0xb5: {  	_ =	task.clear_ibuf [dreg:s9], $0x7FFFF;
	_ =	strace $0x90000046  }
0xb6: {  	s29 =	simm.s32 $0x9;
	_ =	strace $0x80000048  }
0xb7: {  	_ =	swait.ge [sflag:s29], $0x1  }
0xb8: {  	[sflag:s29] =	ssyncadd.s32 $0xFFFFFFFF  }
0xb9: {  	_ =	strace $0x90000048  }
0xba: {  	_ =	sfence  }
0xbb: {  	s30 =	sld [smem:$0x0];
	_ =	sdelay $0x2  }
0xbc: {  	s31 =	sshll.u32 s1, $0xD;
	s1 =	sshrl.u32 s1, $0x2  }
0xbd: {  	s3 =	sand.u32 $0x4000, s31;
	s1 =	sadd.s32 s1, s30  }
0xbe: {  	s0 =	sor.u32 s3, s0;
	s1 =	sshll.u32 s1, $0x11  }
0xbf: {  	s0 =	sor.u32 s1, s0  }
0xc0: {  	s0 =	sadd.s32 $0x8F2B, s0  }
0xc1: {  	[sflag:s0] =	ssyncadd.remote.s32 $0x1  }
0xc2: {  	_ =	sfence.sel $0xFFFF  }
0xc3: {  	[dreg:$0x0] =	wrdreg $0xFFFFFFFF;
	(pc) =	sbr.abs _section_cstart, $3  }
0xc4: {  	[dreg:$0x1] =	wrdreg $0xFFFFFFFF  }
0xc5: {  	_ =	task.clear_ibuf [dreg:s9], $0x2FFFF;
	_ =	strace $0x9FFFFFFF  }
0xc6: {  	(tm) =	ssettm $0x7FFFFFFF  }
0xc7: {  	_ =	shalt  }
tec
execute0_lowered:
.L_overlay_start_1:
0x0: {  	(tag) =	ssettag $0x1  }
0x1: {  	s0 =	rddreg [dreg:$0x0]  }
0x2: {  	s1 =	rddreg [dreg:$0x1]  }
0x3: {  	s2 =	rddreg [dreg:$0x2]  }
0x4: {  	s11 =	rddreg [dreg:$0x3];
	s4 =	srdreg.scid;
	s3 =	simm.s32 $0x0  }
0x5: {  	s12 =	stileid.u32;
	s4 =	sand.u32 $0x1, s4;
	[smem:$0x7FF] =	sst s3  }
0x6: {  	s7 =	smul.u32 $0xF400, s12;
	s22 =	sshll.u32 s12, $0xA;
	s5 =	ssub.s32 $0x2, s4  }
0x7: {  	_ =	strace $0x80000047;
	s4 =	sshll.u32 s4, $0x9;
	s6 =	sshrl.u32 s5, $0x1  }
0x8: {  	s4 =	sor.u32 s4, s22;
	s23 =	sshrl.u32 s7, $0x3;
	s8 =	sadd.s32 $0x1E80, s7  }
0x9: {  	s10 =	sadd.s32 $0x5B80, s7;
	s6 =	ssub.s32 s5, s6;
	s5 =	sadd.s32 s1, s23  }
0xa: {  	s9 =	sshrl.u32 s8, $0x3;
	s8 =	sadd.s32 s8, s11;
	[dreg:$0x5] =	wrdreg s5  }
0xb: {  	s17 =	sadd.s32 $0x7A00, s7;
	s20 =	sadd.s32 s10, s11;
	[dreg:$0xb] =	wrdreg s8  }
0xc: {  	s26 =	sadd.s32 $0x3D00, s7;
	s22 =	sadd.s32 s17, s11;
	[dreg:$0xf] =	wrdreg s20  }
0xd: {  	s14 =	sshrl.u32 s26, $0x3;
	s24 =	sadd.s32 s1, s9;
	[dreg:$0x11] =	wrdreg s22  }
0xe: {  	s15 =	sshrl.u32 s10, $0x3;
	s9 =	sadd.s32 s1, s14;
	[dreg:$0x6] =	wrdreg s24  }
0xf: {  	s19 =	sadd.s32 $0x9880, s7;
	s16 =	sadd.s32 s1, s15;
	[dreg:$0xa] =	wrdreg s9  }
0x10: {  	s5 =	sadd.s32 s0, s4;
	s0 =	sadd.s32 s26, s11;
	[dreg:$0xc] =	wrdreg s16  }
0x11: {  	s28 =	simm.s32 $0x14B28;
	s26 =	sadd.s32 s19, s11;
	[dreg:$0xd] =	wrdreg s0  }
0x12: {  	s29 =	simm.s32 $0x2;
	s10 =	smax.u32 s6, $0x1;
	[dreg:$0x14] =	wrdreg s26  }
0x13: {  	s30 =	simm.s32 $0x4;
	s25 =	sadd.s32 $0x10, s5;
	[dreg:$0x19] =	wrdreg s10  }
0x14: {  	s18 =	sshrl.u32 s17, $0x3;
	s13 =	sadd.s32 $0x20, s5;
	[dreg:$0x7] =	wrdreg s25  }
0x15: {  	s4 =	sshrl.u32 s4, $0x3;
	s0 =	sadd.s32 s1, s18;
	[dreg:$0x8] =	wrdreg s13  }
0x16: {  	s31 =	simm.s32 $0x3;
	s2 =	sadd.s32 s2, s4;
	[dreg:$0xe] =	wrdreg s0  }
0x17: {  	p0 =	sne.s32 s12, $0xF;
	s9 =	sadd.s32 $0x1E800, s1;
	[dreg:$0x13] =	wrdreg s2  }
0x18: {  	s21 =	sshrl.u32 s19, $0x3;
	s12 =	sadd.s32 $0x30, s5;
	[dreg:$0x18] =	wrdreg s9  }
0x19: {  	s23 =	sadd.s32 $0xB700, s7;
	s14 =	sadd.s32 $0x50, s5;
	[dreg:$0x1a] =	wrdreg s12  }
0x1a: {  	s6 =	simm.s32 $0x19928;
	s15 =	sadd.s32 $0x60, s5;
	[dreg:$0x1c] =	wrdreg s14  }
0x1b: {  	s24 =	sshrl.u32 s23, $0x3;
	s16 =	sadd.s32 $0x70, s5;
	[dreg:$0x1d] =	wrdreg s15  }
0x1c: {  	s17 =	sadd.s32 $0x4000, s5;
	s18 =	sadd.s32 $0x4010, s5;
	[dreg:$0x1e] =	wrdreg s16  }
0x1d: {  	s19 =	sadd.s32 $0x4020, s5;
	s20 =	sadd.s32 $0x4030, s5;
	[dreg:$0x1f] =	wrdreg s17  }
0x1e: {  	s22 =	sadd.s32 $0x4050, s5;
	s26 =	sadd.s32 $0x8010, s5;
	[smem:$0x7F5] =	sst s18  }
0x1f: {  	s4 =	simm.s32 $0x1A00;
	s13 =	sadd.s32 s7, s11;
	[smem:$0x7F6] =	sst s19  }
0x20: {  	s0 =	sadd.s32 s1, s21;
	s7 =	sadd.s32 $0xD580, s7;
	[smem:$0x7F7] =	sst s20  }
0x21: {  	s8 =	sadd.s32 s1, s24;
	s21 =	sadd.s32 $0x4040, s5;
	[smem:$0x7F9] =	sst s22  }
0x22: {  	s24 =	sadd.s32 $0x4070, s5;
	[smem:$0x7FD] =	sst s26;
	s14 =	sadd.s32 $0x8030, s5  }
0x23: {  	s15 =	sadd.s32 $0x8040, s5;
	s16 =	sadd.s32 $0x8050, s5;
	[dreg:$0x9] =	wrdreg s13  }
0x24: {  	s17 =	sadd.s32 $0x8060, s5;
	s18 =	sadd.s32 $0x8070, s5;
	[dreg:$0x10] =	wrdreg s0  }
0x25: {  	s19 =	sadd.s32 $0xC000, s5;
	s20 =	sadd.s32 $0xC010, s5;
	[dreg:$0x12] =	wrdreg s8  }
0x26: {  	s22 =	simm.s32 $0xF428;
	s26 =	simm.s32 $0x13128;
	[smem:$0x7F8] =	sst s21  }
0x27: {  	s25 =	sshrl.u32 s7, $0x3;
	s0 =	sadd.s32 s23, s11;
	[smem:$0x7FB] =	sst s24  }
0x28: {  	s8 =	sadd.s32 s7, s11;
	s13 =	sadd.s32 $0x40, s5;
	[dreg:$0x16] =	wrdreg s0  }
0x29: {  	s23 =	sadd.s32 $0x4060, s5;
	s21 =	sadd.s32 $0xF4000, s11;
	[dreg:$0x17] =	wrdreg s8  }
0x2a: {  	s24 =	simm.s32 $0x80;
	s7 =	simm.s32 $0x7;
	[dreg:$0x1b] =	wrdreg s13  }
0x2b: {  	s2 =	sadd.s32 s1, s25;
	[smem:$0x7FA] =	sst s23;
	s25 =	sadd.s32 $0x8000, s5  }
0x2c: {  	s13 =	sadd.s32 $0x8020, s5;
	s23 =	simm.s32 $0x112A8;
	s0 =	simm.s32 $0x5  }
0x2d: {  	s1 =	simm.s32 $0x6;
	s8 =	simm.s32 $0x0;
	[dreg:$0x15] =	wrdreg s2  }
0x2e: {  	[smem:$0x7FC] =	sst s25;
	s25 =	simm.s32 $0x400;
	s2 =	simm.s32 $0x1  }
.LBB2_1:
0x2f: {  	s9 =	rddreg [dreg:$0x5]  }
0x30: {  	[tilespmem:s22], [sflag:$0x2] =	stream.linear.gather [hbm4b:s9+s3], $0x1E80, $0x38;
	[tilespmem:$0x19B28] =	vst v63  }
0x31: {  	s11 =	rddreg [dreg:$0x6]  }
0x32: {  	[tilespmem:s23], [sflag:$0x3] =	stream.linear.gather [hbm4b:s11+s3], $0x1E80, $0x38;
	[tilespmem:$0x19B28] =	vst v63  }
0x33: {  	_ = 	snop  }
0x34: {  	[tilespmem:s26], [sflag:$0x1] =	stream.strided.gather [hbm4b:s5+s24], $0x200, s25, s24, $0x38;
	[tilespmem:$0x19B28] =	vst v63  }
0x35: {  	s12 =	rddreg [dreg:$0x7];
	s10 =	simm.s32 $0x13328  }
0x36: {  	[tilespmem:s10], [sflag:$0x1] =	stream.strided.gather [hbm4b:s12+s24], $0x200, s25, s24, $0x38;
	[tilespmem:$0x19B28] =	vst v63  }
0x37: {  	s11 =	rddreg [dreg:$0x8];
	s12 =	simm.s32 $0x13528  }
0x38: {  	[tilespmem:s12], [sflag:$0x1] =	stream.strided.gather [hbm4b:s11+s24], $0x200, s25, s24, $0x38;
	[tilespmem:$0x19B28] =	vst v63  }
0x39: {  	s11 =	rddreg [dreg:$0x1a];
	s12 =	simm.s32 $0x13728  }
0x3a: {  	[tilespmem:s12], [sflag:$0x1] =	stream.strided.gather [hbm4b:s11+s24], $0x200, s25, s24, $0x38;
	[tilespmem:$0x19B28] =	vst v63  }
0x3b: {  	s11 =	rddreg [dreg:$0x1b];
	s12 =	simm.s32 $0x13928  }
0x3c: {  	[tilespmem:s12], [sflag:$0x1] =	stream.strided.gather [hbm4b:s11+s24], $0x200, s25, s24, $0x38;
	[tilespmem:$0x19B28] =	vst v63  }
0x3d: {  	s11 =	rddreg [dreg:$0x1c];
	s12 =	simm.s32 $0x13B28  }
0x3e: {  	[tilespmem:s12], [sflag:$0x1] =	stream.strided.gather [hbm4b:s11+s24], $0x200, s25, s24, $0x38;
	[tilespmem:$0x19B28] =	vst v63  }
0x3f: {  	s11 =	rddreg [dreg:$0x1d];
	s12 =	simm.s32 $0x13D28  }
0x40: {  	[tilespmem:s12], [sflag:$0x1] =	stream.strided.gather [hbm4b:s11+s24], $0x200, s25, s24, $0x38;
	[tilespmem:$0x19B28] =	vst v63  }
0x41: {  	s11 =	rddreg [dreg:$0x1e];
	s12 =	simm.s32 $0x13F28  }
0x42: {  	[tilespmem:s12], [sflag:$0x1] =	stream.strided.gather [hbm4b:s11+s24], $0x200, s25, s24, $0x38;
	[tilespmem:$0x19B28] =	vst v63  }
0x43: {  	s11 =	rddreg [dreg:$0x1f];
	s12 =	simm.s32 $0x14128  }
0x44: {  	[tilespmem:s12], [sflag:$0x1] =	stream.strided.gather [hbm4b:s11+s24], $0x200, s25, s24, $0x38;
	[tilespmem:$0x19B28] =	vst v63  }
0x45: {  	s11 =	sld [smem:$0x7F5];
	_ =	sdelay $0x1  }
0x46: {  	s12 =	simm.s32 $0x14328  }
0x47: {  	[tilespmem:s12], [sflag:$0x1] =	stream.strided.gather [hbm4b:s11+s24], $0x200, s25, s24, $0x38;
	[tilespmem:$0x19B28] =	vst v63  }
0x48: {  	s11 =	sld [smem:$0x7F6];
	_ =	sdelay $0x1  }
0x49: {  	s12 =	simm.s32 $0x14528  }
0x4a: {  	[tilespmem:s12], [sflag:$0x1] =	stream.strided.gather [hbm4b:s11+s24], $0x200, s25, s24, $0x38;
	[tilespmem:$0x19B28] =	vst v63  }
0x4b: {  	s11 =	sld [smem:$0x7F7];
	_ =	sdelay $0x1  }
0x4c: {  	s12 =	simm.s32 $0x14728  }
0x4d: {  	[tilespmem:s12], [sflag:$0x1] =	stream.strided.gather [hbm4b:s11+s24], $0x200, s25, s24, $0x38;
	[tilespmem:$0x19B28] =	vst v63  }
0x4e: {  	s11 =	sld [smem:$0x7F8];
	_ =	sdelay $0x1  }
0x4f: {  	s10 =	sld [smem:$0x7F9];
	s12 =	simm.s32 $0x14928  }
0x50: {  	[tilespmem:s12], [sflag:$0x1] =	stream.strided.gather [hbm4b:s11+s24], $0x200, s25, s24, $0x38;
	[tilespmem:$0x19B28] =	vst v63  }
0x51: {  	s11 =	sld [smem:$0x7FA]  }
0x52: {  	[tilespmem:s28], [sflag:$0x1] =	stream.strided.gather [hbm4b:s10+s24], $0x200, s25, s24, $0x38;
	[tilespmem:$0x19B28] =	vst v63  }
0x53: {  	s12 =	simm.s32 $0x14D28  }
0x54: {  	[tilespmem:s12], [sflag:$0x1] =	stream.strided.gather [hbm4b:s11+s24], $0x200, s25, s24, $0x38;
	[tilespmem:$0x19B28] =	vst v63  }
0x55: {  	s11 =	sld [smem:$0x7FB];
	_ =	sdelay $0x1  }
0x56: {  	s12 =	simm.s32 $0x14F28  }
0x57: {  	[tilespmem:s12], [sflag:$0x1] =	stream.strided.gather [hbm4b:s11+s24], $0x200, s25, s24, $0x38;
	[tilespmem:$0x19B28] =	vst v63  }
0x58: {  	s11 =	sld [smem:$0x7FC];
	_ =	sdelay $0x1  }
0x59: {  	s12 =	simm.s32 $0x15128  }
0x5a: {  	[tilespmem:s12], [sflag:$0x1] =	stream.strided.gather [hbm4b:s11+s24], $0x200, s25, s24, $0x38;
	[tilespmem:$0x19B28] =	vst v63  }
0x5b: {  	s11 =	sld [smem:$0x7FD];
	_ =	sdelay $0x1  }
0x5c: {  	s12 =	simm.s32 $0x15328  }
0x5d: {  	[tilespmem:s12], [sflag:$0x1] =	stream.strided.gather [hbm4b:s11+s24], $0x200, s25, s24, $0x38;
	[tilespmem:$0x19B28] =	vst v63  }
0x5e: {  	s10 =	simm.s32 $0x15528  }
0x5f: {  	[tilespmem:s10], [sflag:$0x1] =	stream.strided.gather [hbm4b:s13+s24], $0x200, s25, s24, $0x38;
	[tilespmem:$0x19B28] =	vst v63  }
0x60: {  	s11 =	simm.s32 $0x15728  }
0x61: {  	[tilespmem:s11], [sflag:$0x1] =	stream.strided.gather [hbm4b:s14+s24], $0x200, s25, s24, $0x38;
	[tilespmem:$0x19B28] =	vst v63  }
0x62: {  	s12 =	simm.s32 $0x15928  }
0x63: {  	[tilespmem:s12], [sflag:$0x1] =	stream.strided.gather [hbm4b:s15+s24], $0x200, s25, s24, $0x38;
	[tilespmem:$0x19B28] =	vst v63  }
0x64: {  	s10 =	simm.s32 $0x15B28  }
0x65: {  	[tilespmem:s10], [sflag:$0x1] =	stream.strided.gather [hbm4b:s16+s24], $0x200, s25, s24, $0x38;
	[tilespmem:$0x19B28] =	vst v63  }
0x66: {  	s11 =	simm.s32 $0x15D28  }
0x67: {  	[tilespmem:s11], [sflag:$0x1] =	stream.strided.gather [hbm4b:s17+s24], $0x200, s25, s24, $0x38;
	[tilespmem:$0x19B28] =	vst v63  }
0x68: {  	s12 =	simm.s32 $0x15F28  }
0x69: {  	[tilespmem:s12], [sflag:$0x1] =	stream.strided.gather [hbm4b:s18+s24], $0x200, s25, s24, $0x38;
	[tilespmem:$0x19B28] =	vst v63  }
0x6a: {  	s10 =	simm.s32 $0x16128  }
0x6b: {  	[tilespmem:s10], [sflag:$0x1] =	stream.strided.gather [hbm4b:s19+s24], $0x200, s25, s24, $0x38;
	[tilespmem:$0x19B28] =	vst v63  }
0x6c: {  	s11 =	simm.s32 $0x16328  }
0x6d: {  	[tilespmem:s11], [sflag:$0x1] =	stream.strided.gather [hbm4b:s20+s24], $0x200, s25, s24, $0x38;
	[tilespmem:$0x19B28] =	vst v63  }
0x6e: {  	_ =	swait.ge [sflag:s29], $0x1E80  }
0x6f: {  	[sflag:s29] =	ssyncset.done $0x0  }
0x70: {  	s12 =	rddreg [dreg:$0x9];
	[sflag:s29] =	ssyncadd.s32 $0xFFFFE180  }
0x71: {  	[spmem:s12] =	stream.linear.scatter [tilespmem:s22], [sflag:$0x4], $0x1E80, $0x38;
	[tilespmem:$0x19B28] =	vst v63  }
0x72: {  	_ =	swait.ge [sflag:s30], $0x1E80  }
0x73: {  	[sflag:s30] =	ssyncset.done $0x0  }
0x74: {  	s10 =	rddreg [dreg:$0xa];
	[sflag:s30] =	ssyncadd.s32 $0xFFFFE180  }
0x75: {  	[tilespmem:s22], [sflag:$0x2] =	stream.linear.gather [hbm4b:s10+s3], $0x1E80, $0x38;
	[tilespmem:$0x19B28] =	vst v63  }
0x76: {  	_ =	swait.ge [sflag:s31], $0x1E80  }
0x77: {  	[sflag:s31] =	ssyncset.done $0x0  }
0x78: {  	s11 =	rddreg [dreg:$0xb];
	[sflag:s31] =	ssyncadd.s32 $0xFFFFE180  }
0x79: {  	[spmem:s11] =	stream.linear.scatter [tilespmem:s23], [sflag:$0x5], $0x1E80, $0x38;
	[tilespmem:$0x19B28] =	vst v63  }
0x7a: {  	_ =	swait.ge [sflag:s0], $0x1E80  }
0x7b: {  	[sflag:s0] =	ssyncset.done $0x0  }
0x7c: {  	s12 =	rddreg [dreg:$0xc];
	[sflag:s0] =	ssyncadd.s32 $0xFFFFE180  }
0x7d: {  	[tilespmem:s23], [sflag:$0x3] =	stream.linear.gather [hbm4b:s12+s3], $0x1E80, $0x38;
	[tilespmem:$0x19B28] =	vst v63  }
0x7e: {  	_ =	swait.ge [sflag:s29], $0x1E80  }
0x7f: {  	[sflag:s29] =	ssyncset.done $0x0  }
0x80: {  	s10 =	rddreg [dreg:$0xd];
	[sflag:s29] =	ssyncadd.s32 $0xFFFFE180  }
0x81: {  	[spmem:s10] =	stream.linear.scatter [tilespmem:s22], [sflag:$0x4], $0x1E80, $0x38;
	[tilespmem:$0x19B28] =	vst v63  }
0x82: {  	_ =	swait.ge [sflag:s30], $0x1E80  }
0x83: {  	[sflag:s30] =	ssyncset.done $0x0  }
0x84: {  	s11 =	rddreg [dreg:$0xe];
	[sflag:s30] =	ssyncadd.s32 $0xFFFFE180  }
0x85: {  	[tilespmem:s22], [sflag:$0x2] =	stream.linear.gather [hbm4b:s11+s3], $0x1E80, $0x38;
	[tilespmem:$0x19B28] =	vst v63  }
0x86: {  	_ =	swait.ge [sflag:s31], $0x1E80  }
0x87: {  	[sflag:s31] =	ssyncset.done $0x0  }
0x88: {  	s12 =	rddreg [dreg:$0xf];
	[sflag:s31] =	ssyncadd.s32 $0xFFFFE180  }
0x89: {  	[spmem:s12] =	stream.linear.scatter [tilespmem:s23], [sflag:$0x5], $0x1E80, $0x38;
	[tilespmem:$0x19B28] =	vst v63  }
0x8a: {  	_ =	swait.ge [sflag:s0], $0x1E80  }
0x8b: {  	[sflag:s0] =	ssyncset.done $0x0  }
0x8c: {  	s10 =	rddreg [dreg:$0x10];
	[sflag:s0] =	ssyncadd.s32 $0xFFFFE180  }
0x8d: {  	[tilespmem:s23], [sflag:$0x3] =	stream.linear.gather [hbm4b:s10+s3], $0x1E80, $0x38;
	[tilespmem:$0x19B28] =	vst v63  }
0x8e: {  	_ =	swait.ge [sflag:s29], $0x1E80  }
0x8f: {  	[sflag:s29] =	ssyncset.done $0x0  }
0x90: {  	s11 =	rddreg [dreg:$0x11];
	[sflag:s29] =	ssyncadd.s32 $0xFFFFE180  }
0x91: {  	[spmem:s11] =	stream.linear.scatter [tilespmem:s22], [sflag:$0x4], $0x1E80, $0x38;
	[tilespmem:$0x19B28] =	vst v63  }
0x92: {  	_ =	swait.ge [sflag:s30], $0x1E80  }
0x93: {  	[sflag:s30] =	ssyncset.done $0x0  }
0x94: {  	s12 =	rddreg [dreg:$0x12];
	[sflag:s30] =	ssyncadd.s32 $0xFFFFE180  }
0x95: {  	[tilespmem:s22], [sflag:$0x2] =	stream.linear.gather [hbm4b:s12+s3], $0x1E80, $0x38;
	[tilespmem:$0x19B28] =	vst v63  }
0x96: {  	_ =	swait.ge [sflag:s31], $0x1E80  }
0x97: {  	[sflag:s31] =	ssyncset.done $0x0  }
0x98: {  	s10 =	rddreg [dreg:$0x14];
	[sflag:s31] =	ssyncadd.s32 $0xFFFFE180  }
0x99: {  	[spmem:s10] =	stream.linear.scatter [tilespmem:s23], [sflag:$0x5], $0x1E80, $0x38;
	[tilespmem:$0x19B28] =	vst v63  }
0x9a: {  	_ =	swait.ge [sflag:s0], $0x1E80  }
0x9b: {  	[sflag:s0] =	ssyncset.done $0x0  }
0x9c: {  	s11 =	rddreg [dreg:$0x15];
	[sflag:s0] =	ssyncadd.s32 $0xFFFFE180  }
0x9d: {  	[tilespmem:s23], [sflag:$0x3] =	stream.linear.gather [hbm4b:s11+s3], $0x1E80, $0x38;
	[tilespmem:$0x19B28] =	vst v63  }
0x9e: {  	_ =	swait.ge [sflag:s29], $0x1E80  }
0x9f: {  	[sflag:s29] =	ssyncset.done $0x0  }
0xa0: {  	s12 =	rddreg [dreg:$0x16];
	[sflag:s29] =	ssyncadd.s32 $0xFFFFE180  }
0xa1: {  	[spmem:s12] =	stream.linear.scatter [tilespmem:s22], [sflag:$0x4], $0x1E80, $0x38;
	[tilespmem:$0x19B28] =	vst v63  }
0xa2: {  	_ =	swait.ge [sflag:s31], $0x1E80  }
0xa3: {  	[sflag:s31] =	ssyncset.done $0x0  }
0xa4: {  	s10 =	rddreg [dreg:$0x17];
	[sflag:s31] =	ssyncadd.s32 $0xFFFFE180  }
0xa5: {  	[spmem:s10] =	stream.linear.scatter [tilespmem:s23], [sflag:$0x5], $0x1E80, $0x38;
	[tilespmem:$0x19B28] =	vst v63  }
0xa6: {  	_ =	swait.ge [sflag:s30], $0x1E80  }
0xa7: {  	[sflag:s30] =	ssyncset.done $0x0  }
0xa8: {  	[sflag:s30] =	ssyncadd.s32 $0xFFFFE180  }
0xa9: {  	_ =	swait.ge [sflag:s0], $0x1E80  }
0xaa: {  	s9 =	simm.s32 @!p0 $0x0;
	[sflag:s0] =	ssyncset.done $0x0  }
0xab: {  	s10 =	simm.s32 @!p0 $0xF428;
	s11 =	rddreg [dreg:$0x18];
	[sflag:s0] =	ssyncadd.s32 $0xFFFFE180  }
0xac: {  	[tilespmem:s10], [sflag:$0x7] =	stream.linear.gather @!p0 [hbm4b:s11+s9], $0x240, $0x38;
	[tilespmem:$0x19B28] =	vst v63  }
0xad: {  	s9 =	simm.s32 @!p0 $0x7  }
0xae: {  	_ =	swait.ge @!p0 [sflag:s9], $0x240  }
0xaf: {  	[sflag:s9] =	ssyncset.done @!p0 $0x0  }
0xb0: {  	[sflag:s9] =	ssyncadd.s32 @!p0 $0xFFFFFDC0  }
0xb1: {  	[spmem:s21] =	stream.linear.scatter @!p0 [tilespmem:s10], [sflag:$0x7], $0x240, $0x38;
	[tilespmem:$0x19B28] =	vst v63  }
0xb2: {  	_ =	swait.ge @!p0 [sflag:s9], $0x240  }
0xb3: {  	[sflag:s9] =	ssyncset.done @!p0 $0x0  }
0xb4: {  	[sflag:s9] =	ssyncadd.s32 @!p0 $0xFFFFFDC0  }
0xb5: {  	[bflag:$0x0] =	sbarrier.arrive $0xFFFF  }
0xb6: {  	_ =	swait.ge [sflag:s2], $0x200  }
0xb7: {  	[sflag:s2] =	ssyncset.done $0x0  }
0xb8: {  	[sflag:s2] =	ssyncadd.s32 $0xFFFFFE00  }
0xb9: {  	_ =	swait.ge [sflag:s2], $0x200  }
0xba: {  	[sflag:s2] =	ssyncset.done $0x0  }
0xbb: {  	[sflag:s2] =	ssyncadd.s32 $0xFFFFFE00  }
0xbc: {  	_ =	swait.ge [sflag:s2], $0x200  }
0xbd: {  	[sflag:s2] =	ssyncset.done $0x0  }
0xbe: {  	[sflag:s2] =	ssyncadd.s32 $0xFFFFFE00  }
0xbf: {  	_ =	swait.ge [sflag:s2], $0x200  }
0xc0: {  	[sflag:s2] =	ssyncset.done $0x0  }
0xc1: {  	[sflag:s2] =	ssyncadd.s32 $0xFFFFFE00  }
0xc2: {  	_ =	swait.ge [sflag:s2], $0x200  }
0xc3: {  	[sflag:s2] =	ssyncset.done $0x0  }
0xc4: {  	[sflag:s2] =	ssyncadd.s32 $0xFFFFFE00  }
0xc5: {  	_ =	swait.ge [sflag:s2], $0x200  }
0xc6: {  	[sflag:s2] =	ssyncset.done $0x0  }
0xc7: {  	[sflag:s2] =	ssyncadd.s32 $0xFFFFFE00  }
0xc8: {  	_ =	swait.ge [sflag:s2], $0x200  }
0xc9: {  	[sflag:s2] =	ssyncset.done $0x0  }
0xca: {  	[sflag:s2] =	ssyncadd.s32 $0xFFFFFE00  }
0xcb: {  	_ =	swait.ge [sflag:s2], $0x200  }
0xcc: {  	[sflag:s2] =	ssyncset.done $0x0  }
0xcd: {  	[sflag:s2] =	ssyncadd.s32 $0xFFFFFE00  }
0xce: {  	_ =	swait.ge [sflag:s2], $0x200  }
0xcf: {  	[sflag:s2] =	ssyncset.done $0x0  }
0xd0: {  	[sflag:s2] =	ssyncadd.s32 $0xFFFFFE00  }
0xd1: {  	_ =	swait.ge [sflag:s2], $0x200  }
0xd2: {  	[sflag:s2] =	ssyncset.done $0x0  }
0xd3: {  	[sflag:s2] =	ssyncadd.s32 $0xFFFFFE00  }
0xd4: {  	_ =	swait.ge [sflag:s2], $0x200  }
0xd5: {  	[sflag:s2] =	ssyncset.done $0x0  }
0xd6: {  	[sflag:s2] =	ssyncadd.s32 $0xFFFFFE00  }
0xd7: {  	_ =	swait.ge [sflag:s2], $0x200  }
0xd8: {  	[sflag:s2] =	ssyncset.done $0x0  }
0xd9: {  	[sflag:s2] =	ssyncadd.s32 $0xFFFFFE00  }
0xda: {  	_ =	swait.ge [sflag:s2], $0x200  }
0xdb: {  	[sflag:s2] =	ssyncset.done $0x0  }
0xdc: {  	[sflag:s2] =	ssyncadd.s32 $0xFFFFFE00  }
0xdd: {  	_ =	swait.ge [sflag:s2], $0x200  }
0xde: {  	[sflag:s2] =	ssyncset.done $0x0  }
0xdf: {  	[sflag:s2] =	ssyncadd.s32 $0xFFFFFE00  }
0xe0: {  	_ =	swait.ge [sflag:s2], $0x200  }
0xe1: {  	[sflag:s2] =	ssyncset.done $0x0  }
0xe2: {  	[sflag:s2] =	ssyncadd.s32 $0xFFFFFE00  }
0xe3: {  	_ =	swait.ge [sflag:s2], $0x200  }
0xe4: {  	[sflag:s2] =	ssyncset.done $0x0  }
0xe5: {  	[sflag:s2] =	ssyncadd.s32 $0xFFFFFE00  }
0xe6: {  	_ =	swait.ge [sflag:s2], $0x200  }
0xe7: {  	[sflag:s2] =	ssyncset.done $0x0  }
0xe8: {  	[sflag:s2] =	ssyncadd.s32 $0xFFFFFE00  }
0xe9: {  	_ =	swait.ge [sflag:s2], $0x200  }
0xea: {  	[sflag:s2] =	ssyncset.done $0x0  }
0xeb: {  	[sflag:s2] =	ssyncadd.s32 $0xFFFFFE00  }
0xec: {  	_ =	swait.ge [sflag:s2], $0x200  }
0xed: {  	[sflag:s2] =	ssyncset.done $0x0  }
0xee: {  	[sflag:s2] =	ssyncadd.s32 $0xFFFFFE00  }
0xef: {  	_ =	swait.ge [sflag:s2], $0x200  }
0xf0: {  	[sflag:s2] =	ssyncset.done $0x0  }
0xf1: {  	[sflag:s2] =	ssyncadd.s32 $0xFFFFFE00  }
0xf2: {  	_ =	swait.ge [sflag:s2], $0x200  }
0xf3: {  	[sflag:s2] =	ssyncset.done $0x0  }
0xf4: {  	[sflag:s2] =	ssyncadd.s32 $0xFFFFFE00  }
0xf5: {  	_ =	swait.ge [sflag:s2], $0x200  }
0xf6: {  	[sflag:s2] =	ssyncset.done $0x0  }
0xf7: {  	[sflag:s2] =	ssyncadd.s32 $0xFFFFFE00  }
0xf8: {  	_ =	swait.ge [sflag:s2], $0x200  }
0xf9: {  	[sflag:s2] =	ssyncset.done $0x0  }
0xfa: {  	[sflag:s2] =	ssyncadd.s32 $0xFFFFFE00  }
0xfb: {  	_ =	swait.ge [sflag:s2], $0x200  }
0xfc: {  	[sflag:s2] =	ssyncset.done $0x0  }
0xfd: {  	[sflag:s2] =	ssyncadd.s32 $0xFFFFFE00  }
0xfe: {  	_ =	swait.ge [sflag:s2], $0x200  }
0xff: {  	[sflag:s2] =	ssyncset.done $0x0  }
0x100: {  	[sflag:s2] =	ssyncadd.s32 $0xFFFFFE00  }
0x101: {  	_ =	swait.ge [sflag:s2], $0x200  }
0x102: {  	[sflag:s2] =	ssyncset.done $0x0  }
0x103: {  	[sflag:s2] =	ssyncadd.s32 $0xFFFFFE00  }
0x104: {  	s9 =	simm.s32 $0x16528;
	s11 =	rddreg [dreg:$0x3]  }
0x105: {  	[tilespmem:s9], [sflag:$0x1] =	stream.indirect.gather [spmem:s11], $0x1, s26, s4, $0xb8;
	[tilespmem:$0x19B28] =	vst v63  }
0x106: {  	_ =	swait.ge [sflag:s2], $0x1A00  }
0x107: {  	[sflag:s2] =	ssyncset.done $0x0  }
0x108: {  	s12 =	simm.s32 $0x17F28;
	[sflag:s2] =	ssyncadd.s32 $0xFFFFE600  }
0x109: {  	[tilespmem:s12], [sflag:$0x6] =	stream.indirect.gather [spmem:s11], $0x1, s28, s4, $0xb8;
	[tilespmem:$0x19B28] =	vst v63  }
0x10a: {  	s11 =	sand.u32 $0x1F0, s3  }
0x10b: {  	v0 =	vld [tilespmem:s11+$0x16728]  }
0x10c: {  	v1 =	vld [tilespmem:s9+$0x0];
	_ =	sdelay $0x1  }
0x10d: {  	v2 =	vld [tilespmem:s11+$0x16928];
	_ =	sdelay $0x1  }
0x10e: {  	v3 =	vld [tilespmem:s11+$0x16B28]  }
0x10f: {  	v0 =	vadd.f32 v0, v1  }
0x110: {  	v1 =	vld [tilespmem:s11+$0x16D28]  }
0x111: {  	v0 =	vadd.f32 v2, v0  }
0x112: {  	v2 =	vld [tilespmem:s11+$0x16F28]  }
0x113: {  	v0 =	vadd.f32 v3, v0  }
0x114: {  	v3 =	vld [tilespmem:s11+$0x17128]  }
0x115: {  	v0 =	vadd.f32 v1, v0  }
0x116: {  	v1 =	vld [tilespmem:s11+$0x17328]  }
0x117: {  	v0 =	vadd.f32 v2, v0  }
0x118: {  	v2 =	vld [tilespmem:s11+$0x17528]  }
0x119: {  	v0 =	vadd.f32 v3, v0  }
0x11a: {  	v3 =	vld [tilespmem:s11+$0x17728]  }
0x11b: {  	v0 =	vadd.f32 v1, v0  }
0x11c: {  	v1 =	vld [tilespmem:s11+$0x17928]  }
0x11d: {  	v0 =	vadd.f32 v2, v0  }
0x11e: {  	v2 =	vld [tilespmem:s11+$0x17B28]  }
0x11f: {  	v0 =	vadd.f32 v3, v0  }
0x120: {  	v3 =	vld [tilespmem:s11+$0x17D28]  }
0x121: {  	v0 =	vadd.f32 v1, v0;
	_ =	sdelay $0x1  }
0x122: {  	v0 =	vadd.f32 v2, v0;
	_ =	sdelay $0x1  }
0x123: {  	v0 =	vadd.f32 v3, v0  }
0x124: {  	s12 =	simm.s32 $0x10  }
0x125: {  	s10 =	sand.u32 $0x1F0, s12;
	[tilespmem:s6+$0x0] =	vst v0  }
0x126: {  	s12 =	simm.s32 $0x20;
	s9 =	simm.s32 $0x19928;
	s11 =	simm.s32 $0x16538;
	v0 =	vld [tilespmem:s10+$0x16728]  }
.LBB2_2:
0x127: {  	p1 =	sne.s32 s12, $0x1F0;
	v1 =	vld [tilespmem:s11+$0x0];
	_ =	sdelay $0x1  }
0x128: {  	v2 =	vld [tilespmem:s10+$0x16928];
	_ =	sdelay $0x1  }
0x129: {  	v3 =	vld [tilespmem:s10+$0x16B28]  }
0x12a: {  	v0 =	vadd.f32 v0, v1  }
0x12b: {  	v1 =	vld [tilespmem:s10+$0x16D28]  }
0x12c: {  	v0 =	vadd.f32 v2, v0  }
0x12d: {  	v2 =	vld [tilespmem:s10+$0x16F28]  }
0x12e: {  	v0 =	vadd.f32 v3, v0  }
0x12f: {  	v3 =	vld [tilespmem:s10+$0x17128]  }
0x130: {  	v0 =	vadd.f32 v1, v0  }
0x131: {  	v1 =	vld [tilespmem:s10+$0x17328]  }
0x132: {  	v0 =	vadd.f32 v2, v0  }
0x133: {  	v2 =	vld [tilespmem:s10+$0x17528]  }
0x134: {  	v0 =	vadd.f32 v3, v0  }
0x135: {  	v3 =	vld [tilespmem:s10+$0x17728]  }
0x136: {  	v0 =	vadd.f32 v1, v0  }
0x137: {  	v1 =	vld [tilespmem:s10+$0x17928]  }
0x138: {  	v0 =	vadd.f32 v2, v0  }
0x139: {  	v2 =	vld [tilespmem:s10+$0x17B28]  }
0x13a: {  	v0 =	vadd.f32 v3, v0  }
0x13b: {  	v3 =	vld [tilespmem:s10+$0x17D28]  }
0x13c: {  	v0 =	vadd.f32 v1, v0;
	_ =	sdelay $0x1  }
0x13d: {  	v0 =	vadd.f32 v2, v0  }
.Ltmp0:
0x13e: {  	(pc) =	sbr.rel @p1 .LBB2_2-.Ltmp0, $4  }
0x13f: {  	v0 =	vadd.f32 v3, v0  }
0x140: {  	s9 =	sadd.s32 $0x10, s9  }
0x141: {  	s10 =	sand.u32 $0x1F0, s12;
	[tilespmem:s9+$0x0] =	vst v0  }
0x142: {  	s11 =	sadd.s32 $0x10, s11;
	s12 =	sadd.s32 $0x10, s12;
	v0 =	vld [tilespmem:s10+$0x16728]  }
0x143: {  	v1 =	vld [tilespmem:s11+$0x0];
	_ =	sdelay $0x1  }
0x144: {  	v2 =	vld [tilespmem:s10+$0x16928];
	_ =	sdelay $0x1  }
0x145: {  	v3 =	vld [tilespmem:s10+$0x16B28]  }
0x146: {  	v0 =	vadd.f32 v0, v1  }
0x147: {  	v1 =	vld [tilespmem:s10+$0x16D28]  }
0x148: {  	v0 =	vadd.f32 v2, v0  }
0x149: {  	v2 =	vld [tilespmem:s10+$0x16F28]  }
0x14a: {  	v0 =	vadd.f32 v3, v0  }
0x14b: {  	v3 =	vld [tilespmem:s10+$0x17128]  }
0x14c: {  	v0 =	vadd.f32 v1, v0  }
0x14d: {  	v1 =	vld [tilespmem:s10+$0x17328]  }
0x14e: {  	v0 =	vadd.f32 v2, v0  }
0x14f: {  	v2 =	vld [tilespmem:s10+$0x17528]  }
0x150: {  	v0 =	vadd.f32 v3, v0  }
0x151: {  	v3 =	vld [tilespmem:s10+$0x17728]  }
0x152: {  	v0 =	vadd.f32 v1, v0  }
0x153: {  	v1 =	vld [tilespmem:s10+$0x17928]  }
0x154: {  	v0 =	vadd.f32 v2, v0  }
0x155: {  	v2 =	vld [tilespmem:s10+$0x17B28]  }
0x156: {  	v0 =	vadd.f32 v3, v0  }
0x157: {  	v3 =	vld [tilespmem:s10+$0x17D28]  }
0x158: {  	v0 =	vadd.f32 v1, v0;
	_ =	sdelay $0x1  }
0x159: {  	v0 =	vadd.f32 v2, v0;
	_ =	sdelay $0x1  }
0x15a: {  	v0 =	vadd.f32 v3, v0  }
0x15b: {  	s9 =	sadd.s32 $0x10, s9  }
0x15c: {  	[tilespmem:s9+$0x0] =	vst v0  }
0x15d: {  	_ =	swait.ge [sflag:s1], $0x1A00  }
0x15e: {  	s12 =	simm.s32 $0x0;
	[sflag:s1] =	ssyncset.done $0x0  }
0x15f: {  	s10 =	sand.u32 $0x1F0, s12;
	[sflag:s1] =	ssyncadd.s32 $0xFFFFE600  }
0x160: {  	s11 =	simm.s32 $0x10;
	s9 =	simm.s32 $0x19928;
	v0 =	vld [tilespmem:s10+$0x17F28]  }
.LBB2_4:
0x161: {  	p1 =	sne.s32 s11, $0x1F0;
	v1 =	vld [tilespmem:s9+$0x0];
	_ =	sdelay $0x1  }
0x162: {  	v2 =	vld [tilespmem:s10+$0x18128];
	_ =	sdelay $0x1  }
0x163: {  	v3 =	vld [tilespmem:s10+$0x18328]  }
0x164: {  	v0 =	vadd.f32 v0, v1  }
0x165: {  	v1 =	vld [tilespmem:s10+$0x18528]  }
0x166: {  	v0 =	vadd.f32 v2, v0  }
0x167: {  	v2 =	vld [tilespmem:s10+$0x18728]  }
0x168: {  	v0 =	vadd.f32 v3, v0  }
0x169: {  	v3 =	vld [tilespmem:s10+$0x18928]  }
0x16a: {  	v0 =	vadd.f32 v1, v0  }
0x16b: {  	v1 =	vld [tilespmem:s10+$0x18B28]  }
0x16c: {  	v0 =	vadd.f32 v2, v0  }
0x16d: {  	v2 =	vld [tilespmem:s10+$0x18D28]  }
0x16e: {  	v0 =	vadd.f32 v3, v0  }
0x16f: {  	v3 =	vld [tilespmem:s10+$0x18F28]  }
0x170: {  	v0 =	vadd.f32 v1, v0  }
0x171: {  	v1 =	vld [tilespmem:s10+$0x19128]  }
0x172: {  	v0 =	vadd.f32 v2, v0  }
0x173: {  	v2 =	vld [tilespmem:s10+$0x19328]  }
0x174: {  	v0 =	vadd.f32 v3, v0  }
0x175: {  	v3 =	vld [tilespmem:s10+$0x19528]  }
0x176: {  	v0 =	vadd.f32 v1, v0  }
0x177: {  	v1 =	vld [tilespmem:s10+$0x19728]  }
0x178: {  	v0 =	vadd.f32 v2, v0;
	_ =	sdelay $0x1  }
0x179: {  	v0 =	vadd.f32 v3, v0  }
.Ltmp1:
0x17a: {  	(pc) =	sbr.rel @p1 .LBB2_4-.Ltmp1, $3  }
0x17b: {  	v0 =	vadd.f32 v1, v0;
	_ =	sdelay $0x1  }
0x17c: {  	s10 =	sand.u32 $0x1F0, s11;
	[tilespmem:s9+$0x0] =	vst v0  }
0x17d: {  	s11 =	sadd.s32 $0x10, s11;
	s9 =	sadd.s32 $0x10, s9;
	v0 =	vld [tilespmem:s10+$0x17F28]  }
0x17e: {  	v1 =	vld [tilespmem:s9+$0x0];
	_ =	sdelay $0x1  }
0x17f: {  	v2 =	vld [tilespmem:s10+$0x18128];
	_ =	sdelay $0x1  }
0x180: {  	v3 =	vld [tilespmem:s10+$0x18328]  }
0x181: {  	v0 =	vadd.f32 v0, v1  }
0x182: {  	v54 =	vld [tilespmem:s10+$0x18528]  }
0x183: {  	v0 =	vadd.f32 v2, v0  }
0x184: {  	v55 =	vld [tilespmem:s10+$0x18728]  }
0x185: {  	v0 =	vadd.f32 v3, v0  }
0x186: {  	v56 =	vld [tilespmem:s10+$0x18928]  }
0x187: {  	v0 =	vadd.f32 v54, v0  }
0x188: {  	v57 =	vld [tilespmem:s10+$0x18B28]  }
0x189: {  	v0 =	vadd.f32 v55, v0  }
0x18a: {  	v58 =	vld [tilespmem:s10+$0x18D28]  }
0x18b: {  	v0 =	vadd.f32 v56, v0  }
0x18c: {  	v59 =	vld [tilespmem:s10+$0x18F28]  }
0x18d: {  	v0 =	vadd.f32 v57, v0  }
0x18e: {  	v60 =	vld [tilespmem:s10+$0x19128]  }
0x18f: {  	v0 =	vadd.f32 v58, v0  }
0x190: {  	v61 =	vld [tilespmem:s10+$0x19328]  }
0x191: {  	v0 =	vadd.f32 v59, v0  }
0x192: {  	v62 =	vld [tilespmem:s10+$0x19528]  }
0x193: {  	v0 =	vadd.f32 v60, v0  }
0x194: {  	v63 =	vld [tilespmem:s10+$0x19728]  }
0x195: {  	v0 =	vadd.f32 v61, v0;
	_ =	sdelay $0x1  }
0x196: {  	v0 =	vadd.f32 v62, v0;
	_ =	sdelay $0x1  }
0x197: {  	v0 =	vadd.f32 v63, v0;
	_ =	sdelay $0x1  }
0x198: {  	s11 =	rddreg [dreg:$0x13];
	[tilespmem:s9+$0x0] =	vst v0  }
0x199: {  	[hbm4b:s11+s3] =	stream.linear.scatter [tilespmem:s6], [sflag:$0x7], $0x200, $0x38;
	[tilespmem:$0x19B28] =	vst v63  }
0x19a: {  	_ =	swait.ge [sflag:s7], $0x200  }
0x19b: {  	s8 =	sadd.s32 $0x1, s8;
	s12 =	rddreg [dreg:$0x19]  }
0x19c: {  	p1 =	sne.s32 s8, s12  }
.Ltmp2:
0x19d: {  	_ = 	snop;
	(pc) =	sbr.rel @p1 .LBB2_1-.Ltmp2, $3  }
0x19e: {  	_ =	sdelay $0x1  }
0x19f: {  	[sflag:s7] =	ssyncset.done $0x0  }
0x1a0: {  	[sflag:s7] =	ssyncadd.s32 $0xFFFFFE00  }
0x1a1: {  	_ =	sfence.sel $0x180000  }
0x1a2: {  	[bflag:$0x0] =	sbarrier.arrive $0xFFFF  }
0x1a3: {  	_ =	strace $0x90000047  }
0x1a4: {  	s0 =	stileid.u32;
	[bflag:$0x2] =	sbarrier.arrive $0xFFFF  }
0x1a5: {  	p0 =	sne.s32 s0, $0x0;
	s0 =	rddreg [dreg:$0x4]  }
0x1a6: {  	s0 =	sadd.s32 @!p0 $0x100000, s0  }
0x1a7: {  	[sflag:s0] =	ssyncadd.tile.s32 @!p0 $0x1;
	_ =	shalt  }
.Lfunc_end2:
_tile_overlayer_lowered:
.L_overlay_start_2:
0x1a8: {  	(tag) =	ssettag $0x2  }
0x1a9: {  	s0 =	rddreg [dreg:$0x0];
	s2 =	stileid.u32  }
0x1aa: {  	s1 =	rddreg [dreg:$0x1];
	p0 =	sne.s32 s2, $0x0  }
0x1ab: {  	s3 =	rddreg [dreg:$0x2];
	[bflag:$0x3] =	sbarrier.arrive $0xFFFF;
	s2 =	simm.s32 @!p0 $0x1C07  }
0x1ac: {  	[timem:s3], [sflag:s2] =	dma.local @!p0 [hbm:s0], s1  }
0x1ad: {  	s0 =	simm.s32 @!p0 $0x7  }
0x1ae: {  	_ =	swait.ge @!p0 [sflag:s0], s1  }
0x1af: {  	s1 =	ssub.s32 @!p0 $0x0, s1;
	[sflag:s0] =	ssyncset.done @!p0 $0x0  }
0x1b0: {  	[sflag:s0] =	ssyncadd.s32 @!p0 s1  }
0x1b1: {  	[bflag:$0x3] =	sbarrier.arrive $0xFFFF  }
0x1b2: {  	_ =	shalt  }

</sc_bundles>
